<compile_context>
chip_gen: v7x
topology: tpu7x:2x2x1
jax: 0.10.2.dev20260603
libtpu: 0.0.44.dev20260713+nightly
codegen_flags: <defaults>
</compile_context>

<pallas_src>
import functools
import jax
import jax.numpy as jnp
from jax import lax
from jax.experimental import pallas as pl
from jax.experimental.pallas import tpu as pltpu
from jax.experimental.pallas import tpu_sc as plsc

_NC = 2
_NS = 16
_NW = _NC * _NS
_CHUNK = 832
_NBUF = 4
_BLK = 2048


def _transpose_body(t_ref, o_ref):
    t = t_ref[...]
    q = _BLK // 4
    o_ref[...] = jnp.concatenate(
        [t[:, k * q:(k + 1) * q].T for k in range(4)], axis=1)


def kernel(X, table):
    B, F = X.shape
    N = B * F
    V, D = table.shape
    idx = X.reshape(N)

    n_blk = pl.cdiv(V, _BLK)
    packed = pl.pallas_call(
        _transpose_body,
        grid=(n_blk,),
        in_specs=[pl.BlockSpec((D, _BLK), lambda i: (0, i))],
        out_specs=pl.BlockSpec((_BLK // 4, 4 * D), lambda i: (i, 0)),
        out_shape=jax.ShapeDtypeStruct((n_blk * _BLK // 4, 4 * D),
                                       jnp.float32),
        compiler_params=pltpu.CompilerParams(
            dimension_semantics=("parallel",)),
    )(table.T)
    table_rows = packed.reshape(n_blk * _BLK, D)

    b_per_w = N // _NW
    n_chunks = b_per_w // _CHUNK
    n_groups = n_chunks // _NBUF
    assert N % _NW == 0 and b_per_w % (_CHUNK * _NBUF) == 0

    mesh = plsc.VectorSubcoreMesh(core_axis_name="c", subcore_axis_name="s")

    @functools.partial(
        pl.kernel,
        mesh=mesh,
        out_type=jax.ShapeDtypeStruct((N, D), jnp.float32),
        compiler_params=pltpu.CompilerParams(use_tc_tiling_on_sc=False),
        scratch_types=(
            [pltpu.VMEM((b_per_w,), jnp.int32)]
            + [pltpu.VMEM((_CHUNK, D), jnp.float32) for _ in range(_NBUF)]
            + [pltpu.SemaphoreType.DMA for _ in range(2 * _NBUF)]
        ),
    )
    def gather_kernel(table_hbm, idx_hbm, out_hbm, idx_v, *bufs_and_sems):
        rows = bufs_and_sems[:_NBUF]
        gsem = bufs_and_sems[_NBUF:2 * _NBUF]
        osem = bufs_and_sems[2 * _NBUF:]

        wid = lax.axis_index("s") * _NC + lax.axis_index("c")
        base = wid * b_per_w

        pltpu.sync_copy(idx_hbm.at[pl.ds(base, b_per_w)], idx_v)

        @pl.loop(0, b_per_w // 16)
        def _(j):
            s = idx_v.at[pl.ds(j * 16, 16)][...]
            q = ((s & jnp.int32(~2047))
                 | ((s & jnp.int32(511)) << 2)
                 | ((s & jnp.int32(2047)) >> 9))
            idx_v.at[pl.ds(j * 16, 16)][...] = q

        def start_gather(c, b):
            pltpu.async_copy(
                table_hbm.at[idx_v.at[pl.ds(c * _CHUNK, _CHUNK)]],
                rows[b], gsem[b])

        def wait_gather(b):
            pltpu.make_async_copy(
                table_hbm.at[idx_v.at[pl.ds(0, _CHUNK)]],
                rows[b], gsem[b]).wait()

        def start_out(c, b):
            pltpu.async_copy(
                rows[b], out_hbm.at[pl.ds(base + c * _CHUNK, _CHUNK)],
                osem[b])

        def wait_out(b):
            pltpu.make_async_copy(
                rows[b], out_hbm.at[pl.ds(base, _CHUNK)], osem[b]).wait()

        for b in range(_NBUF):
            start_gather(b, b)

        @pl.loop(0, n_groups - 1)
        def _(g):
            c0 = g * _NBUF
            for b in range(_NBUF):
                wait_gather(b)
                start_out(c0 + b, b)
            for b in range(_NBUF):
                wait_out(b)
                start_gather(c0 + _NBUF + b, b)

        c0 = (n_groups - 1) * _NBUF
        for b in range(_NBUF):
            wait_gather(b)
            start_out(c0 + b, b)
        for b in range(_NBUF):
            wait_out(b)

    out = gather_kernel(table_rows, idx)
    return out.reshape(B, F, D)

# --- scband reference (transcript-rebuilt; emitter-appended) ---
"""Pipeline reference for scband-embedder-29506425323569 (READ-ONLY COPY).

The authoritative reference and input builder live on the scoring server;
editing this copy changes nothing except your own understanding.
"""

import jax, jax.numpy as jnp
import numpy as np

NUM_EMBEDDINGS = 1000000
EMBEDDING_DIM = 32
BATCH = 16384
FIELDS = 26


def setup_inputs(seed: int = 0) -> dict:
    key = jax.random.key(seed)
    k1, k2 = jax.random.split(key)
    X = jax.random.randint(k1, (BATCH, FIELDS), 0, NUM_EMBEDDINGS, dtype=jnp.int64 if jax.config.jax_enable_x64 else jnp.int32)
    # nn.Embedding default init: N(0, 1)
    table = jax.random.normal(k2, (NUM_EMBEDDINGS, EMBEDDING_DIM), dtype=jnp.float32)
    return {"X": X, "table": table}


def reference(X, table):
    # Faithful translation of nn.Embedding forward: gather rows of the table.
    return jnp.take(table, X, axis=0)

if __name__ == "__main__":
    import jax
    _d = setup_inputs()
    print(jax.jit(kernel)(*tuple(_d.values())))

</pallas_src>

<mosaic_0001>
#map = affine_map<(d0, d1) -> (0, 0)>
#map1 = affine_map<(d0, d1) -> (0)>
module attributes {stable_mosaic.version = 14 : i64} {
  func.func @gather_kernel(%arg0: i32, %arg1: i32, %arg2: memref<1001472x32xf32, #tpu.memory_space<hbm>>, %arg3: memref<425984xi32, #tpu.memory_space<hbm>>, %arg4: memref<425984x32xf32, #tpu.memory_space<hbm>>, %arg5: memref<13312xi32, #tpu.memory_space<vmem>>, %arg6: memref<832x32xf32, #tpu.memory_space<vmem>>, %arg7: memref<832x32xf32, #tpu.memory_space<vmem>>, %arg8: memref<832x32xf32, #tpu.memory_space<vmem>>, %arg9: memref<832x32xf32, #tpu.memory_space<vmem>>, %arg10: memref<!tpu.dma_semaphore, #tpu.memory_space<semaphore_mem>>, %arg11: memref<!tpu.dma_semaphore, #tpu.memory_space<semaphore_mem>>, %arg12: memref<!tpu.dma_semaphore, #tpu.memory_space<semaphore_mem>>, %arg13: memref<!tpu.dma_semaphore, #tpu.memory_space<semaphore_mem>>, %arg14: memref<!tpu.dma_semaphore, #tpu.memory_space<semaphore_mem>>, %arg15: memref<!tpu.dma_semaphore, #tpu.memory_space<semaphore_mem>>, %arg16: memref<!tpu.dma_semaphore, #tpu.memory_space<semaphore_mem>>, %arg17: memref<!tpu.dma_semaphore, #tpu.memory_space<semaphore_mem>>) attributes {dimension_semantics = [#tpu.dimension_semantics<core_parallel>, #tpu.dimension_semantics<subcore_parallel>], iteration_bounds = array<i64: 2, 16>, scalar_prefetch = 0 : i64, scratch_operands = 13 : i64, tpu.core_type = #tpu.core_type<sc_vector_subcore>, window_params = [{transform_indices = #map}, {transform_indices = #map1}, {transform_indices = #map}]} {
    %mul3A = arith.constant 2 : i32
    %mul3A_0 = arith.muli %arg1, %mul3A : i32
    %add3A = arith.addi %mul3A_0, %arg0 : i32
    %mul3A_1 = arith.constant 13312 : i32
    %mul3A_2 = arith.muli %add3A, %mul3A_1 : i32
    "tpu.region"() ({
      %run_scoped3A = tpu.sem_alloc : memref<!tpu.dma_semaphore, #tpu.memory_space<semaphore_mem>>
      %dma_start3A_90 = tpu.memref_slice %arg3[%mul3A_2] : memref<425984xi32, #tpu.memory_space<hbm>> -> memref<13312xi32, #tpu.memory_space<hbm>>
      %dma_start3A_91 = tpu.memref_slice %arg3[%mul3A_2] : memref<425984xi32, #tpu.memory_space<hbm>> -> memref<13312xi32, #tpu.memory_space<hbm>>
      tpu.enqueue_dma source(%dma_start3A_91 : memref<13312xi32, #tpu.memory_space<hbm>>) target(%arg5 : memref<13312xi32, #tpu.memory_space<vmem>>) target_semaphore(%run_scoped3A : memref<!tpu.dma_semaphore, #tpu.memory_space<semaphore_mem>>)
      %dma_wait3A_92 = tpu.memref_slice %arg3[%mul3A_2] : memref<425984xi32, #tpu.memory_space<hbm>> -> memref<13312xi32, #tpu.memory_space<hbm>>
      %dma_wait3A_93 = tpu.memref_slice %arg3[%mul3A_2] : memref<425984xi32, #tpu.memory_space<hbm>> -> memref<13312xi32, #tpu.memory_space<hbm>>
      tpu.wait_dma2 semaphore(%run_scoped3A : memref<!tpu.dma_semaphore, #tpu.memory_space<semaphore_mem>>) src(%dma_wait3A_93 : memref<13312xi32, #tpu.memory_space<hbm>>) dst(%arg5 : memref<13312xi32, #tpu.memory_space<vmem>>)
      tpu.yield
    }) : () -> ()
    %scan3A = arith.constant 0 : i32
    %scan3A_3 = arith.constant 832 : i32
    %scan3A_4 = arith.addi %scan3A, %scan3A_3 : i32
    %scan3A_5 = arith.constant 1 : i32
    scf.for %scan3A_90 = %scan3A to %scan3A_4 step %scan3A_5  : i32 {
      %mul3A_91 = arith.constant 1 : i32
      %mul3A_92 = arith.muli %scan3A_90, %mul3A_91 : i32
      %add3A_93 = arith.constant 0 : i32
      %add3A_94 = arith.addi %add3A_93, %mul3A_92 : i32
      %mul3A_95 = arith.constant 16 : i32
      %mul3A_96 = arith.muli %add3A_94, %mul3A_95 : i32
      %get3A = arith.index_cast %mul3A_96 : i32 to index
      %get3A_97 = tpu.vector_load %arg5[%get3A] {strides = array<i32>} : memref<13312xi32, #tpu.memory_space<vmem>>, vector<16xi32>,
      %get3A_98 = vector.shape_cast %get3A_97 : vector<16xi32> to vector<16xi32>
      %and3A = arith.constant -2048 : i32
      %and3A_99 = vector.broadcast %and3A : i32 to vector<16xi32>
      %and3A_100 = arith.andi %get3A_98, %and3A_99 : vector<16xi32>
      %and3A_101 = arith.constant 511 : i32
      %and3A_102 = vector.broadcast %and3A_101 : i32 to vector<16xi32>
      %and3A_103 = arith.andi %get3A_98, %and3A_102 : vector<16xi32>
      %shift_left3A = arith.constant 2 : i32
      %shift_left3A_104 = vector.broadcast %shift_left3A : i32 to vector<16xi32>
      %shift_left3A_105 = arith.shli %and3A_103, %shift_left3A_104 : vector<16xi32>
      %or3A = arith.ori %and3A_100, %shift_left3A_105 : vector<16xi32>
      %and3A_106 = arith.constant 2047 : i32
      %and3A_107 = vector.broadcast %and3A_106 : i32 to vector<16xi32>
      %and3A_108 = arith.andi %get3A_98, %and3A_107 : vector<16xi32>
      %shift_right_arithmetic3A = arith.constant 9 : i32
      %shift_right_arithmetic3A_109 = vector.broadcast %shift_right_arithmetic3A : i32 to vector<16xi32>
      %shift_right_arithmetic3A_110 = arith.shrsi %and3A_108, %shift_right_arithmetic3A_109 : vector<16xi32>
      %or3A_111 = arith.ori %or3A, %shift_right_arithmetic3A_110 : vector<16xi32>
      %mul3A_112 = arith.constant 16 : i32
      %mul3A_113 = arith.muli %add3A_94, %mul3A_112 : i32
      %swap3A = arith.index_cast %mul3A_113 : i32 to index
      %swap3A_114 = tpu.vector_load %arg5[%swap3A] {strides = array<i32>} : memref<13312xi32, #tpu.memory_space<vmem>>, vector<16xi32>,
      %swap3A_115 = vector.shape_cast %swap3A_114 : vector<16xi32> to vector<16xi32>
      %swap3A_116 = vector.shape_cast %or3A_111 : vector<16xi32> to vector<16xi32>
      tpu.vector_store %arg5[%swap3A], %swap3A_116 {strides = array<i32>} : memref<13312xi32, #tpu.memory_space<vmem>>, vector<16xi32>,
    }
    %scan3A_6 = arith.constant 832 : i32
    %dma_start3A = arith.constant 0 : i32
    %dma_start3A_7 = tpu.memref_slice %arg5[%dma_start3A] : memref<13312xi32, #tpu.memory_space<vmem>> -> memref<832xi32, #tpu.memory_space<vmem>>
    %dma_start3A_8 = arith.constant 0 : i32
    %dma_start3A_9 = arith.constant 0 : i32
    %dma_start3A_10 = tpu.memref_slice %arg2[%dma_start3A_8, %dma_start3A_9] : memref<1001472x32xf32, #tpu.memory_space<hbm>> -> memref<1001472x32xf32, #tpu.memory_space<hbm>>
    tpu.enqueue_indirect_dma source(%dma_start3A_10 : memref<1001472x32xf32, #tpu.memory_space<hbm>>) target(%arg6 : memref<832x32xf32, #tpu.memory_space<vmem>>) offsets(%dma_start3A_7 : memref<832xi32, #tpu.memory_space<vmem>>) semaphore(%arg10 : memref<!tpu.dma_semaphore, #tpu.memory_space<semaphore_mem>>)
    %dma_start3A_11 = arith.constant 832 : i32
    %dma_start3A_12 = tpu.memref_slice %arg5[%dma_start3A_11] : memref<13312xi32, #tpu.memory_space<vmem>> -> memref<832xi32, #tpu.memory_space<vmem>>
    %dma_start3A_13 = arith.constant 0 : i32
    %dma_start3A_14 = arith.constant 0 : i32
    %dma_start3A_15 = tpu.memref_slice %arg2[%dma_start3A_13, %dma_start3A_14] : memref<1001472x32xf32, #tpu.memory_space<hbm>> -> memref<1001472x32xf32, #tpu.memory_space<hbm>>
    tpu.enqueue_indirect_dma source(%dma_start3A_15 : memref<1001472x32xf32, #tpu.memory_space<hbm>>) target(%arg7 : memref<832x32xf32, #tpu.memory_space<vmem>>) offsets(%dma_start3A_12 : memref<832xi32, #tpu.memory_space<vmem>>) semaphore(%arg11 : memref<!tpu.dma_semaphore, #tpu.memory_space<semaphore_mem>>)
    %dma_start3A_16 = arith.constant 1664 : i32
    %dma_start3A_17 = tpu.memref_slice %arg5[%dma_start3A_16] : memref<13312xi32, #tpu.memory_space<vmem>> -> memref<832xi32, #tpu.memory_space<vmem>>
    %dma_start3A_18 = arith.constant 0 : i32
    %dma_start3A_19 = arith.constant 0 : i32
    %dma_start3A_20 = tpu.memref_slice %arg2[%dma_start3A_18, %dma_start3A_19] : memref<1001472x32xf32, #tpu.memory_space<hbm>> -> memref<1001472x32xf32, #tpu.memory_space<hbm>>
    tpu.enqueue_indirect_dma source(%dma_start3A_20 : memref<1001472x32xf32, #tpu.memory_space<hbm>>) target(%arg8 : memref<832x32xf32, #tpu.memory_space<vmem>>) offsets(%dma_start3A_17 : memref<832xi32, #tpu.memory_space<vmem>>) semaphore(%arg12 : memref<!tpu.dma_semaphore, #tpu.memory_space<semaphore_mem>>)
    %dma_start3A_21 = arith.constant 2496 : i32
    %dma_start3A_22 = tpu.memref_slice %arg5[%dma_start3A_21] : memref<13312xi32, #tpu.memory_space<vmem>> -> memref<832xi32, #tpu.memory_space<vmem>>
    %dma_start3A_23 = arith.constant 0 : i32
    %dma_start3A_24 = arith.constant 0 : i32
    %dma_start3A_25 = tpu.memref_slice %arg2[%dma_start3A_23, %dma_start3A_24] : memref<1001472x32xf32, #tpu.memory_space<hbm>> -> memref<1001472x32xf32, #tpu.memory_space<hbm>>
    tpu.enqueue_indirect_dma source(%dma_start3A_25 : memref<1001472x32xf32, #tpu.memory_space<hbm>>) target(%arg9 : memref<832x32xf32, #tpu.memory_space<vmem>>) offsets(%dma_start3A_22 : memref<832xi32, #tpu.memory_space<vmem>>) semaphore(%arg13 : memref<!tpu.dma_semaphore, #tpu.memory_space<semaphore_mem>>)
    %scan3A_26 = arith.constant 0 : i32
    %scan3A_27 = arith.constant 3 : i32
    %scan3A_28 = arith.addi %scan3A_26, %scan3A_27 : i32
    %scan3A_29 = arith.constant 1 : i32
    scf.for %scan3A_90 = %scan3A_26 to %scan3A_28 step %scan3A_29  : i32 {
      %mul3A_91 = arith.constant 1 : i32
      %mul3A_92 = arith.muli %scan3A_90, %mul3A_91 : i32
      %add3A_93 = arith.constant 0 : i32
      %add3A_94 = arith.addi %add3A_93, %mul3A_92 : i32
      %mul3A_95 = arith.constant 4 : i32
      %mul3A_96 = arith.muli %add3A_94, %mul3A_95 : i32
      %dma_wait3A_97 = arith.constant 0 : i32
      %dma_wait3A_98 = tpu.memref_slice %arg5[%dma_wait3A_97] : memref<13312xi32, #tpu.memory_space<vmem>> -> memref<832xi32, #tpu.memory_space<vmem>>
      %dma_wait3A_99 = arith.constant 0 : i32
      %dma_wait3A_100 = arith.constant 0 : i32
      %dma_wait3A_101 = tpu.memref_slice %arg2[%dma_wait3A_99, %dma_wait3A_100] : memref<1001472x32xf32, #tpu.memory_space<hbm>> -> memref<1001472x32xf32, #tpu.memory_space<hbm>>
      tpu.wait_indirect_dma semaphore(%arg10 : memref<!tpu.dma_semaphore, #tpu.memory_space<semaphore_mem>>) src(%dma_wait3A_101 : memref<1001472x32xf32, #tpu.memory_space<hbm>>) dst(%arg6 : memref<832x32xf32, #tpu.memory_space<vmem>>)
      %add3A_102 = arith.constant 0 : i32
      %add3A_103 = arith.addi %mul3A_96, %add3A_102 : i32
      %mul3A_104 = arith.constant 832 : i32
      %mul3A_105 = arith.muli %add3A_103, %mul3A_104 : i32
      %add3A_106 = arith.addi %mul3A_2, %mul3A_105 : i32
      %dma_start3A_107 = arith.constant 0 : i32
      %dma_start3A_108 = tpu.memref_slice %arg4[%add3A_106, %dma_start3A_107] : memref<425984x32xf32, #tpu.memory_space<hbm>> -> memref<832x32xf32, #tpu.memory_space<hbm>>
      %dma_start3A_109 = arith.constant 0 : i32
      %dma_start3A_110 = tpu.memref_slice %arg4[%add3A_106, %dma_start3A_109] : memref<425984x32xf32, #tpu.memory_space<hbm>> -> memref<832x32xf32, #tpu.memory_space<hbm>>
      tpu.enqueue_dma source(%arg6 : memref<832x32xf32, #tpu.memory_space<vmem>>) target(%dma_start3A_110 : memref<832x32xf32, #tpu.memory_space<hbm>>) target_semaphore(%arg14 : memref<!tpu.dma_semaphore, #tpu.memory_space<semaphore_mem>>)
      %dma_wait3A_111 = arith.constant 0 : i32
      %dma_wait3A_112 = tpu.memref_slice %arg5[%dma_wait3A_111] : memref<13312xi32, #tpu.memory_space<vmem>> -> memref<832xi32, #tpu.memory_space<vmem>>
      %dma_wait3A_113 = arith.constant 0 : i32
      %dma_wait3A_114 = arith.constant 0 : i32
      %dma_wait3A_115 = tpu.memref_slice %arg2[%dma_wait3A_113, %dma_wait3A_114] : memref<1001472x32xf32, #tpu.memory_space<hbm>> -> memref<1001472x32xf32, #tpu.memory_space<hbm>>
      tpu.wait_indirect_dma semaphore(%arg11 : memref<!tpu.dma_semaphore, #tpu.memory_space<semaphore_mem>>) src(%dma_wait3A_115 : memref<1001472x32xf32, #tpu.memory_space<hbm>>) dst(%arg7 : memref<832x32xf32, #tpu.memory_space<vmem>>)
      %add3A_116 = arith.constant 1 : i32
      %add3A_117 = arith.addi %mul3A_96, %add3A_116 : i32
      %mul3A_118 = arith.constant 832 : i32
      %mul3A_119 = arith.muli %add3A_117, %mul3A_118 : i32
      %add3A_120 = arith.addi %mul3A_2, %mul3A_119 : i32
      %dma_start3A_121 = arith.constant 0 : i32
      %dma_start3A_122 = tpu.memref_slice %arg4[%add3A_120, %dma_start3A_121] : memref<425984x32xf32, #tpu.memory_space<hbm>> -> memref<832x32xf32, #tpu.memory_space<hbm>>
      %dma_start3A_123 = arith.constant 0 : i32
      %dma_start3A_124 = tpu.memref_slice %arg4[%add3A_120, %dma_start3A_123] : memref<425984x32xf32, #tpu.memory_space<hbm>> -> memref<832x32xf32, #tpu.memory_space<hbm>>
      tpu.enqueue_dma source(%arg7 : memref<832x32xf32, #tpu.memory_space<vmem>>) target(%dma_start3A_124 : memref<832x32xf32, #tpu.memory_space<hbm>>) target_semaphore(%arg15 : memref<!tpu.dma_semaphore, #tpu.memory_space<semaphore_mem>>)
      %dma_wait3A_125 = arith.constant 0 : i32
      %dma_wait3A_126 = tpu.memref_slice %arg5[%dma_wait3A_125] : memref<13312xi32, #tpu.memory_space<vmem>> -> memref<832xi32, #tpu.memory_space<vmem>>
      %dma_wait3A_127 = arith.constant 0 : i32
      %dma_wait3A_128 = arith.constant 0 : i32
      %dma_wait3A_129 = tpu.memref_slice %arg2[%dma_wait3A_127, %dma_wait3A_128] : memref<1001472x32xf32, #tpu.memory_space<hbm>> -> memref<1001472x32xf32, #tpu.memory_space<hbm>>
      tpu.wait_indirect_dma semaphore(%arg12 : memref<!tpu.dma_semaphore, #tpu.memory_space<semaphore_mem>>) src(%dma_wait3A_129 : memref<1001472x32xf32, #tpu.memory_space<hbm>>) dst(%arg8 : memref<832x32xf32, #tpu.memory_space<vmem>>)
      %add3A_130 = arith.constant 2 : i32
      %add3A_131 = arith.addi %mul3A_96, %add3A_130 : i32
      %mul3A_132 = arith.constant 832 : i32
      %mul3A_133 = arith.muli %add3A_131, %mul3A_132 : i32
      %add3A_134 = arith.addi %mul3A_2, %mul3A_133 : i32
      %dma_start3A_135 = arith.constant 0 : i32
      %dma_start3A_136 = tpu.memref_slice %arg4[%add3A_134, %dma_start3A_135] : memref<425984x32xf32, #tpu.memory_space<hbm>> -> memref<832x32xf32, #tpu.memory_space<hbm>>
      %dma_start3A_137 = arith.constant 0 : i32
      %dma_start3A_138 = tpu.memref_slice %arg4[%add3A_134, %dma_start3A_137] : memref<425984x32xf32, #tpu.memory_space<hbm>> -> memref<832x32xf32, #tpu.memory_space<hbm>>
      tpu.enqueue_dma source(%arg8 : memref<832x32xf32, #tpu.memory_space<vmem>>) target(%dma_start3A_138 : memref<832x32xf32, #tpu.memory_space<hbm>>) target_semaphore(%arg16 : memref<!tpu.dma_semaphore, #tpu.memory_space<semaphore_mem>>)
      %dma_wait3A_139 = arith.constant 0 : i32
      %dma_wait3A_140 = tpu.memref_slice %arg5[%dma_wait3A_139] : memref<13312xi32, #tpu.memory_space<vmem>> -> memref<832xi32, #tpu.memory_space<vmem>>
      %dma_wait3A_141 = arith.constant 0 : i32
      %dma_wait3A_142 = arith.constant 0 : i32
      %dma_wait3A_143 = tpu.memref_slice %arg2[%dma_wait3A_141, %dma_wait3A_142] : memref<1001472x32xf32, #tpu.memory_space<hbm>> -> memref<1001472x32xf32, #tpu.memory_space<hbm>>
      tpu.wait_indirect_dma semaphore(%arg13 : memref<!tpu.dma_semaphore, #tpu.memory_space<semaphore_mem>>) src(%dma_wait3A_143 : memref<1001472x32xf32, #tpu.memory_space<hbm>>) dst(%arg9 : memref<832x32xf32, #tpu.memory_space<vmem>>)
      %add3A_144 = arith.constant 3 : i32
      %add3A_145 = arith.addi %mul3A_96, %add3A_144 : i32
      %mul3A_146 = arith.constant 832 : i32
      %mul3A_147 = arith.muli %add3A_145, %mul3A_146 : i32
      %add3A_148 = arith.addi %mul3A_2, %mul3A_147 : i32
      %dma_start3A_149 = arith.constant 0 : i32
      %dma_start3A_150 = tpu.memref_slice %arg4[%add3A_148, %dma_start3A_149] : memref<425984x32xf32, #tpu.memory_space<hbm>> -> memref<832x32xf32, #tpu.memory_space<hbm>>
      %dma_start3A_151 = arith.constant 0 : i32
      %dma_start3A_152 = tpu.memref_slice %arg4[%add3A_148, %dma_start3A_151] : memref<425984x32xf32, #tpu.memory_space<hbm>> -> memref<832x32xf32, #tpu.memory_space<hbm>>
      tpu.enqueue_dma source(%arg9 : memref<832x32xf32, #tpu.memory_space<vmem>>) target(%dma_start3A_152 : memref<832x32xf32, #tpu.memory_space<hbm>>) target_semaphore(%arg17 : memref<!tpu.dma_semaphore, #tpu.memory_space<semaphore_mem>>)
      %dma_wait3A_153 = arith.constant 0 : i32
      %dma_wait3A_154 = tpu.memref_slice %arg4[%mul3A_2, %dma_wait3A_153] : memref<425984x32xf32, #tpu.memory_space<hbm>> -> memref<832x32xf32, #tpu.memory_space<hbm>>
      %dma_wait3A_155 = arith.constant 0 : i32
      %dma_wait3A_156 = tpu.memref_slice %arg4[%mul3A_2, %dma_wait3A_155] : memref<425984x32xf32, #tpu.memory_space<hbm>> -> memref<832x32xf32, #tpu.memory_space<hbm>>
      tpu.wait_dma2 semaphore(%arg14 : memref<!tpu.dma_semaphore, #tpu.memory_space<semaphore_mem>>) src(%arg6 : memref<832x32xf32, #tpu.memory_space<vmem>>) dst(%dma_wait3A_156 : memref<832x32xf32, #tpu.memory_space<hbm>>)
      %add3A_157 = arith.constant 4 : i32
      %add3A_158 = arith.addi %mul3A_96, %add3A_157 : i32
      %add3A_159 = arith.constant 0 : i32
      %add3A_160 = arith.addi %add3A_158, %add3A_159 : i32
      %mul3A_161 = arith.constant 832 : i32
      %mul3A_162 = arith.muli %add3A_160, %mul3A_161 : i32
      %dma_start3A_163 = tpu.memref_slice %arg5[%mul3A_162] : memref<13312xi32, #tpu.memory_space<vmem>> -> memref<832xi32, #tpu.memory_space<vmem>>
      %dma_start3A_164 = arith.constant 0 : i32
      %dma_start3A_165 = arith.constant 0 : i32
      %dma_start3A_166 = tpu.memref_slice %arg2[%dma_start3A_164, %dma_start3A_165] : memref<1001472x32xf32, #tpu.memory_space<hbm>> -> memref<1001472x32xf32, #tpu.memory_space<hbm>>
      tpu.enqueue_indirect_dma source(%dma_start3A_166 : memref<1001472x32xf32, #tpu.memory_space<hbm>>) target(%arg6 : memref<832x32xf32, #tpu.memory_space<vmem>>) offsets(%dma_start3A_163 : memref<832xi32, #tpu.memory_space<vmem>>) semaphore(%arg10 : memref<!tpu.dma_semaphore, #tpu.memory_space<semaphore_mem>>)
      %dma_wait3A_167 = arith.constant 0 : i32
      %dma_wait3A_168 = tpu.memref_slice %arg4[%mul3A_2, %dma_wait3A_167] : memref<425984x32xf32, #tpu.memory_space<hbm>> -> memref<832x32xf32, #tpu.memory_space<hbm>>
      %dma_wait3A_169 = arith.constant 0 : i32
      %dma_wait3A_170 = tpu.memref_slice %arg4[%mul3A_2, %dma_wait3A_169] : memref<425984x32xf32, #tpu.memory_space<hbm>> -> memref<832x32xf32, #tpu.memory_space<hbm>>
      tpu.wait_dma2 semaphore(%arg15 : memref<!tpu.dma_semaphore, #tpu.memory_space<semaphore_mem>>) src(%arg7 : memref<832x32xf32, #tpu.memory_space<vmem>>) dst(%dma_wait3A_170 : memref<832x32xf32, #tpu.memory_space<hbm>>)
      %add3A_171 = arith.constant 4 : i32
      %add3A_172 = arith.addi %mul3A_96, %add3A_171 : i32
      %add3A_173 = arith.constant 1 : i32
      %add3A_174 = arith.addi %add3A_172, %add3A_173 : i32
      %mul3A_175 = arith.constant 832 : i32
      %mul3A_176 = arith.muli %add3A_174, %mul3A_175 : i32
      %dma_start3A_177 = tpu.memref_slice %arg5[%mul3A_176] : memref<13312xi32, #tpu.memory_space<vmem>> -> memref<832xi32, #tpu.memory_space<vmem>>
      %dma_start3A_178 = arith.constant 0 : i32
      %dma_start3A_179 = arith.constant 0 : i32
      %dma_start3A_180 = tpu.memref_slice %arg2[%dma_start3A_178, %dma_start3A_179] : memref<1001472x32xf32, #tpu.memory_space<hbm>> -> memref<1001472x32xf32, #tpu.memory_space<hbm>>
      tpu.enqueue_indirect_dma source(%dma_start3A_180 : memref<1001472x32xf32, #tpu.memory_space<hbm>>) target(%arg7 : memref<832x32xf32, #tpu.memory_space<vmem>>) offsets(%dma_start3A_177 : memref<832xi32, #tpu.memory_space<vmem>>) semaphore(%arg11 : memref<!tpu.dma_semaphore, #tpu.memory_space<semaphore_mem>>)
      %dma_wait3A_181 = arith.constant 0 : i32
      %dma_wait3A_182 = tpu.memref_slice %arg4[%mul3A_2, %dma_wait3A_181] : memref<425984x32xf32, #tpu.memory_space<hbm>> -> memref<832x32xf32, #tpu.memory_space<hbm>>
      %dma_wait3A_183 = arith.constant 0 : i32
      %dma_wait3A_184 = tpu.memref_slice %arg4[%mul3A_2, %dma_wait3A_183] : memref<425984x32xf32, #tpu.memory_space<hbm>> -> memref<832x32xf32, #tpu.memory_space<hbm>>
      tpu.wait_dma2 semaphore(%arg16 : memref<!tpu.dma_semaphore, #tpu.memory_space<semaphore_mem>>) src(%arg8 : memref<832x32xf32, #tpu.memory_space<vmem>>) dst(%dma_wait3A_184 : memref<832x32xf32, #tpu.memory_space<hbm>>)
      %add3A_185 = arith.constant 4 : i32
      %add3A_186 = arith.addi %mul3A_96, %add3A_185 : i32
      %add3A_187 = arith.constant 2 : i32
      %add3A_188 = arith.addi %add3A_186, %add3A_187 : i32
      %mul3A_189 = arith.constant 832 : i32
      %mul3A_190 = arith.muli %add3A_188, %mul3A_189 : i32
      %dma_start3A_191 = tpu.memref_slice %arg5[%mul3A_190] : memref<13312xi32, #tpu.memory_space<vmem>> -> memref<832xi32, #tpu.memory_space<vmem>>
      %dma_start3A_192 = arith.constant 0 : i32
      %dma_start3A_193 = arith.constant 0 : i32
      %dma_start3A_194 = tpu.memref_slice %arg2[%dma_start3A_192, %dma_start3A_193] : memref<1001472x32xf32, #tpu.memory_space<hbm>> -> memref<1001472x32xf32, #tpu.memory_space<hbm>>
      tpu.enqueue_indirect_dma source(%dma_start3A_194 : memref<1001472x32xf32, #tpu.memory_space<hbm>>) target(%arg8 : memref<832x32xf32, #tpu.memory_space<vmem>>) offsets(%dma_start3A_191 : memref<832xi32, #tpu.memory_space<vmem>>) semaphore(%arg12 : memref<!tpu.dma_semaphore, #tpu.memory_space<semaphore_mem>>)
      %dma_wait3A_195 = arith.constant 0 : i32
      %dma_wait3A_196 = tpu.memref_slice %arg4[%mul3A_2, %dma_wait3A_195] : memref<425984x32xf32, #tpu.memory_space<hbm>> -> memref<832x32xf32, #tpu.memory_space<hbm>>
      %dma_wait3A_197 = arith.constant 0 : i32
      %dma_wait3A_198 = tpu.memref_slice %arg4[%mul3A_2, %dma_wait3A_197] : memref<425984x32xf32, #tpu.memory_space<hbm>> -> memref<832x32xf32, #tpu.memory_space<hbm>>
      tpu.wait_dma2 semaphore(%arg17 : memref<!tpu.dma_semaphore, #tpu.memory_space<semaphore_mem>>) src(%arg9 : memref<832x32xf32, #tpu.memory_space<vmem>>) dst(%dma_wait3A_198 : memref<832x32xf32, #tpu.memory_space<hbm>>)
      %add3A_199 = arith.constant 4 : i32
      %add3A_200 = arith.addi %mul3A_96, %add3A_199 : i32
      %add3A_201 = arith.constant 3 : i32
      %add3A_202 = arith.addi %add3A_200, %add3A_201 : i32
      %mul3A_203 = arith.constant 832 : i32
      %mul3A_204 = arith.muli %add3A_202, %mul3A_203 : i32
      %dma_start3A_205 = tpu.memref_slice %arg5[%mul3A_204] : memref<13312xi32, #tpu.memory_space<vmem>> -> memref<832xi32, #tpu.memory_space<vmem>>
      %dma_start3A_206 = arith.constant 0 : i32
      %dma_start3A_207 = arith.constant 0 : i32
      %dma_start3A_208 = tpu.memref_slice %arg2[%dma_start3A_206, %dma_start3A_207] : memref<1001472x32xf32, #tpu.memory_space<hbm>> -> memref<1001472x32xf32, #tpu.memory_space<hbm>>
      tpu.enqueue_indirect_dma source(%dma_start3A_208 : memref<1001472x32xf32, #tpu.memory_space<hbm>>) target(%arg9 : memref<832x32xf32, #tpu.memory_space<vmem>>) offsets(%dma_start3A_205 : memref<832xi32, #tpu.memory_space<vmem>>) semaphore(%arg13 : memref<!tpu.dma_semaphore, #tpu.memory_space<semaphore_mem>>)
    }
    %scan3A_30 = arith.constant 3 : i32
    %dma_wait3A = arith.constant 0 : i32
    %dma_wait3A_31 = tpu.memref_slice %arg5[%dma_wait3A] : memref<13312xi32, #tpu.memory_space<vmem>> -> memref<832xi32, #tpu.memory_space<vmem>>
    %dma_wait3A_32 = arith.constant 0 : i32
    %dma_wait3A_33 = arith.constant 0 : i32
    %dma_wait3A_34 = tpu.memref_slice %arg2[%dma_wait3A_32, %dma_wait3A_33] : memref<1001472x32xf32, #tpu.memory_space<hbm>> -> memref<1001472x32xf32, #tpu.memory_space<hbm>>
    tpu.wait_indirect_dma semaphore(%arg10 : memref<!tpu.dma_semaphore, #tpu.memory_space<semaphore_mem>>) src(%dma_wait3A_34 : memref<1001472x32xf32, #tpu.memory_space<hbm>>) dst(%arg6 : memref<832x32xf32, #tpu.memory_space<vmem>>)
    %add3A_35 = arith.constant 9984 : i32
    %add3A_36 = arith.addi %mul3A_2, %add3A_35 : i32
    %dma_start3A_37 = arith.constant 0 : i32
    %dma_start3A_38 = tpu.memref_slice %arg4[%add3A_36, %dma_start3A_37] : memref<425984x32xf32, #tpu.memory_space<hbm>> -> memref<832x32xf32, #tpu.memory_space<hbm>>
    %dma_start3A_39 = arith.constant 0 : i32
    %dma_start3A_40 = tpu.memref_slice %arg4[%add3A_36, %dma_start3A_39] : memref<425984x32xf32, #tpu.memory_space<hbm>> -> memref<832x32xf32, #tpu.memory_space<hbm>>
    tpu.enqueue_dma source(%arg6 : memref<832x32xf32, #tpu.memory_space<vmem>>) target(%dma_start3A_40 : memref<832x32xf32, #tpu.memory_space<hbm>>) target_semaphore(%arg14 : memref<!tpu.dma_semaphore, #tpu.memory_space<semaphore_mem>>)
    %dma_wait3A_41 = arith.constant 0 : i32
    %dma_wait3A_42 = tpu.memref_slice %arg5[%dma_wait3A_41] : memref<13312xi32, #tpu.memory_space<vmem>> -> memref<832xi32, #tpu.memory_space<vmem>>
    %dma_wait3A_43 = arith.constant 0 : i32
    %dma_wait3A_44 = arith.constant 0 : i32
    %dma_wait3A_45 = tpu.memref_slice %arg2[%dma_wait3A_43, %dma_wait3A_44] : memref<1001472x32xf32, #tpu.memory_space<hbm>> -> memref<1001472x32xf32, #tpu.memory_space<hbm>>
    tpu.wait_indirect_dma semaphore(%arg11 : memref<!tpu.dma_semaphore, #tpu.memory_space<semaphore_mem>>) src(%dma_wait3A_45 : memref<1001472x32xf32, #tpu.memory_space<hbm>>) dst(%arg7 : memref<832x32xf32, #tpu.memory_space<vmem>>)
    %add3A_46 = arith.constant 10816 : i32
    %add3A_47 = arith.addi %mul3A_2, %add3A_46 : i32
    %dma_start3A_48 = arith.constant 0 : i32
    %dma_start3A_49 = tpu.memref_slice %arg4[%add3A_47, %dma_start3A_48] : memref<425984x32xf32, #tpu.memory_space<hbm>> -> memref<832x32xf32, #tpu.memory_space<hbm>>
    %dma_start3A_50 = arith.constant 0 : i32
    %dma_start3A_51 = tpu.memref_slice %arg4[%add3A_47, %dma_start3A_50] : memref<425984x32xf32, #tpu.memory_space<hbm>> -> memref<832x32xf32, #tpu.memory_space<hbm>>
    tpu.enqueue_dma source(%arg7 : memref<832x32xf32, #tpu.memory_space<vmem>>) target(%dma_start3A_51 : memref<832x32xf32, #tpu.memory_space<hbm>>) target_semaphore(%arg15 : memref<!tpu.dma_semaphore, #tpu.memory_space<semaphore_mem>>)
    %dma_wait3A_52 = arith.constant 0 : i32
    %dma_wait3A_53 = tpu.memref_slice %arg5[%dma_wait3A_52] : memref<13312xi32, #tpu.memory_space<vmem>> -> memref<832xi32, #tpu.memory_space<vmem>>
    %dma_wait3A_54 = arith.constant 0 : i32
    %dma_wait3A_55 = arith.constant 0 : i32
    %dma_wait3A_56 = tpu.memref_slice %arg2[%dma_wait3A_54, %dma_wait3A_55] : memref<1001472x32xf32, #tpu.memory_space<hbm>> -> memref<1001472x32xf32, #tpu.memory_space<hbm>>
    tpu.wait_indirect_dma semaphore(%arg12 : memref<!tpu.dma_semaphore, #tpu.memory_space<semaphore_mem>>) src(%dma_wait3A_56 : memref<1001472x32xf32, #tpu.memory_space<hbm>>) dst(%arg8 : memref<832x32xf32, #tpu.memory_space<vmem>>)
    %add3A_57 = arith.constant 11648 : i32
    %add3A_58 = arith.addi %mul3A_2, %add3A_57 : i32
    %dma_start3A_59 = arith.constant 0 : i32
    %dma_start3A_60 = tpu.memref_slice %arg4[%add3A_58, %dma_start3A_59] : memref<425984x32xf32, #tpu.memory_space<hbm>> -> memref<832x32xf32, #tpu.memory_space<hbm>>
    %dma_start3A_61 = arith.constant 0 : i32
    %dma_start3A_62 = tpu.memref_slice %arg4[%add3A_58, %dma_start3A_61] : memref<425984x32xf32, #tpu.memory_space<hbm>> -> memref<832x32xf32, #tpu.memory_space<hbm>>
    tpu.enqueue_dma source(%arg8 : memref<832x32xf32, #tpu.memory_space<vmem>>) target(%dma_start3A_62 : memref<832x32xf32, #tpu.memory_space<hbm>>) target_semaphore(%arg16 : memref<!tpu.dma_semaphore, #tpu.memory_space<semaphore_mem>>)
    %dma_wait3A_63 = arith.constant 0 : i32
    %dma_wait3A_64 = tpu.memref_slice %arg5[%dma_wait3A_63] : memref<13312xi32, #tpu.memory_space<vmem>> -> memref<832xi32, #tpu.memory_space<vmem>>
    %dma_wait3A_65 = arith.constant 0 : i32
    %dma_wait3A_66 = arith.constant 0 : i32
    %dma_wait3A_67 = tpu.memref_slice %arg2[%dma_wait3A_65, %dma_wait3A_66] : memref<1001472x32xf32, #tpu.memory_space<hbm>> -> memref<1001472x32xf32, #tpu.memory_space<hbm>>
    tpu.wait_indirect_dma semaphore(%arg13 : memref<!tpu.dma_semaphore, #tpu.memory_space<semaphore_mem>>) src(%dma_wait3A_67 : memref<1001472x32xf32, #tpu.memory_space<hbm>>) dst(%arg9 : memref<832x32xf32, #tpu.memory_space<vmem>>)
    %add3A_68 = arith.constant 12480 : i32
    %add3A_69 = arith.addi %mul3A_2, %add3A_68 : i32
    %dma_start3A_70 = arith.constant 0 : i32
    %dma_start3A_71 = tpu.memref_slice %arg4[%add3A_69, %dma_start3A_70] : memref<425984x32xf32, #tpu.memory_space<hbm>> -> memref<832x32xf32, #tpu.memory_space<hbm>>
    %dma_start3A_72 = arith.constant 0 : i32
    %dma_start3A_73 = tpu.memref_slice %arg4[%add3A_69, %dma_start3A_72] : memref<425984x32xf32, #tpu.memory_space<hbm>> -> memref<832x32xf32, #tpu.memory_space<hbm>>
    tpu.enqueue_dma source(%arg9 : memref<832x32xf32, #tpu.memory_space<vmem>>) target(%dma_start3A_73 : memref<832x32xf32, #tpu.memory_space<hbm>>) target_semaphore(%arg17 : memref<!tpu.dma_semaphore, #tpu.memory_space<semaphore_mem>>)
    %dma_wait3A_74 = arith.constant 0 : i32
    %dma_wait3A_75 = tpu.memref_slice %arg4[%mul3A_2, %dma_wait3A_74] : memref<425984x32xf32, #tpu.memory_space<hbm>> -> memref<832x32xf32, #tpu.memory_space<hbm>>
    %dma_wait3A_76 = arith.constant 0 : i32
    %dma_wait3A_77 = tpu.memref_slice %arg4[%mul3A_2, %dma_wait3A_76] : memref<425984x32xf32, #tpu.memory_space<hbm>> -> memref<832x32xf32, #tpu.memory_space<hbm>>
    tpu.wait_dma2 semaphore(%arg14 : memref<!tpu.dma_semaphore, #tpu.memory_space<semaphore_mem>>) src(%arg6 : memref<832x32xf32, #tpu.memory_space<vmem>>) dst(%dma_wait3A_77 : memref<832x32xf32, #tpu.memory_space<hbm>>)
    %dma_wait3A_78 = arith.constant 0 : i32
    %dma_wait3A_79 = tpu.memref_slice %arg4[%mul3A_2, %dma_wait3A_78] : memref<425984x32xf32, #tpu.memory_space<hbm>> -> memref<832x32xf32, #tpu.memory_space<hbm>>
    %dma_wait3A_80 = arith.constant 0 : i32
    %dma_wait3A_81 = tpu.memref_slice %arg4[%mul3A_2, %dma_wait3A_80] : memref<425984x32xf32, #tpu.memory_space<hbm>> -> memref<832x32xf32, #tpu.memory_space<hbm>>
    tpu.wait_dma2 semaphore(%arg15 : memref<!tpu.dma_semaphore, #tpu.memory_space<semaphore_mem>>) src(%arg7 : memref<832x32xf32, #tpu.memory_space<vmem>>) dst(%dma_wait3A_81 : memref<832x32xf32, #tpu.memory_space<hbm>>)
    %dma_wait3A_82 = arith.constant 0 : i32
    %dma_wait3A_83 = tpu.memref_slice %arg4[%mul3A_2, %dma_wait3A_82] : memref<425984x32xf32, #tpu.memory_space<hbm>> -> memref<832x32xf32, #tpu.memory_space<hbm>>
    %dma_wait3A_84 = arith.constant 0 : i32
    %dma_wait3A_85 = tpu.memref_slice %arg4[%mul3A_2, %dma_wait3A_84] : memref<425984x32xf32, #tpu.memory_space<hbm>> -> memref<832x32xf32, #tpu.memory_space<hbm>>
    tpu.wait_dma2 semaphore(%arg16 : memref<!tpu.dma_semaphore, #tpu.memory_space<semaphore_mem>>) src(%arg8 : memref<832x32xf32, #tpu.memory_space<vmem>>) dst(%dma_wait3A_85 : memref<832x32xf32, #tpu.memory_space<hbm>>)
    %dma_wait3A_86 = arith.constant 0 : i32
    %dma_wait3A_87 = tpu.memref_slice %arg4[%mul3A_2, %dma_wait3A_86] : memref<425984x32xf32, #tpu.memory_space<hbm>> -> memref<832x32xf32, #tpu.memory_space<hbm>>
    %dma_wait3A_88 = arith.constant 0 : i32
    %dma_wait3A_89 = tpu.memref_slice %arg4[%mul3A_2, %dma_wait3A_88] : memref<425984x32xf32, #tpu.memory_space<hbm>> -> memref<832x32xf32, #tpu.memory_space<hbm>>
    tpu.wait_dma2 semaphore(%arg17 : memref<!tpu.dma_semaphore, #tpu.memory_space<semaphore_mem>>) src(%arg9 : memref<832x32xf32, #tpu.memory_space<vmem>>) dst(%dma_wait3A_89 : memref<832x32xf32, #tpu.memory_space<hbm>>)
    return
  }
}

module attributes {stable_mosaic.version = 14 : i64} {
  func.func @_transpose_body(%arg0: i32, %arg1: memref<32x2048xf32, #tpu.memory_space<vmem>>, %arg2: memref<512x128xf32, #tpu.memory_space<vmem>>) attributes {dimension_semantics = [#tpu.dimension_semantics<parallel>], iteration_bounds = array<i64: 489>, scalar_prefetch = 0 : i64, scratch_operands = 0 : i64, tpu.core_type = #tpu.core_type<tc>, window_params = [{transform_indices = @transform_0, window_bounds = array<i64: 32, 2048>}, {transform_indices = @transform_1, window_bounds = array<i64: 512, 128>}]} {
    %get3A = arith.constant 0 : index
    %get3A_0 = arith.constant 0 : index
    %get3A_1 = vector.load %arg1[%get3A, %get3A_0] : memref<32x2048xf32, #tpu.memory_space<vmem>>, vector<32x2048xf32>
    %slice3A = vector.extract_strided_slice %get3A_1 {offsets = [0, 0], sizes = [32, 512], strides = [1, 1]} : vector<32x2048xf32> to vector<32x512xf32>
    %transpose3A = tpu.transpose %slice3A, [1, 0] : vector<32x512xf32> -> vector<512x32xf32>
    %slice3A_2 = vector.extract_strided_slice %get3A_1 {offsets = [0, 512], sizes = [32, 512], strides = [1, 1]} : vector<32x2048xf32> to vector<32x512xf32>
    %transpose3A_3 = tpu.transpose %slice3A_2, [1, 0] : vector<32x512xf32> -> vector<512x32xf32>
    %slice3A_4 = vector.extract_strided_slice %get3A_1 {offsets = [0, 1024], sizes = [32, 512], strides = [1, 1]} : vector<32x2048xf32> to vector<32x512xf32>
    %transpose3A_5 = tpu.transpose %slice3A_4, [1, 0] : vector<32x512xf32> -> vector<512x32xf32>
    %slice3A_6 = vector.extract_strided_slice %get3A_1 {offsets = [0, 1536], sizes = [32, 512], strides = [1, 1]} : vector<32x2048xf32> to vector<32x512xf32>
    %transpose3A_7 = tpu.transpose %slice3A_6, [1, 0] : vector<32x512xf32> -> vector<512x32xf32>
    %concatenate3A = tpu.concatenate %transpose3A, %transpose3A_3, %transpose3A_5, %transpose3A_7 in 1 : vector<512x32xf32>, vector<512x32xf32>, vector<512x32xf32>, vector<512x32xf32> -> vector<512x128xf32>
    %swap3A = arith.constant 0 : index
    %swap3A_8 = arith.constant 0 : index
    %swap3A_9 = vector.load %arg2[%swap3A, %swap3A_8] : memref<512x128xf32, #tpu.memory_space<vmem>>, vector<512x128xf32>
    tpu.vector_store %arg2[%swap3A, %swap3A_8], %concatenate3A {strides = array<i32>} : memref<512x128xf32, #tpu.memory_space<vmem>>, vector<512x128xf32>,
    return
  }
  func.func @transform_0(%arg0: i32) -> (i32, i32) {
    %c0_i32 = arith.constant 0 : i32
    %c0_i32_0 = arith.constant 0 : i32
    return %c0_i32, %arg0 : i32, i32
  }
  func.func @transform_1(%arg0: i32) -> (i32, i32) {
    %c0_i32 = arith.constant 0 : i32
    %c0_i32_0 = arith.constant 0 : i32
    return %arg0, %c0_i32 : i32, i32
  }
}

</mosaic_0001>

<sc_bundles>
// kernel: kernel.4.cloned.1.call-start
scs
__scs_entry_jumppad:
0x0: {  	(pc) =	sbr.rel $0x88, $3  }
0x1: {  	(tag) =	ssettag $0x0;
	lr =	simm.s32 $0x1  }
0x2: {  	[smem:$0x3F9F] =	sst lr;
	_ =	strace $0xD0000000  }
0x3: {  	_ = 	snop  }
0x4: {  	_ = 	snop  }
0x5: {  	_ = 	snop  }
0x6: {  	_ = 	snop  }
0x7: {  	_ = 	snop  }
__scs_overlays_trampoline_lowered:
0x8: {  	[smem:$0x3FAE] =	sst s0  }
0x9: {  	[smem:$0x3FAF] =	sst s1  }
0xa: {  	[smem:$0x3FB0] =	sst s2  }
0xb: {  	[smem:$0x3FB1] =	sst s3  }
0xc: {  	[smem:$0x3FB2] =	sst s4  }
0xd: {  	[smem:$0x3FB3] =	sst s5  }
0xe: {  	[smem:$0x3FB4] =	sst s6  }
0xf: {  	[smem:$0x3FB5] =	sst s7  }
0x10: {  	[smem:$0x3FB6] =	sst s8  }
0x11: {  	[smem:$0x3FB7] =	sst s9;
	s0 =	simm.s32 @!p0 $0x0  }
0x12: {  	s1 =	sld [smem:$0x3F9D];
	s0 =	simm.s32 @p0 $0x1  }
0x13: {  	[smem:$0x3FB8] =	sst s0;
	s0 =	simm.s32 @!p1 $0x0  }
0x14: {  	s2 =	sld [smem:$0x3F9C];
	s0 =	simm.s32 @p1 $0x1  }
0x15: {  	[smem:$0x3FB9] =	sst s0;
	s0 =	simm.s32 @!p2 $0x0  }
0x16: {  	s3 =	sld [smem:$0x3FDB];
	s0 =	simm.s32 @p2 $0x1  }
0x17: {  	s4 =	simm.s32 $0x1BF5;
	[smem:$0x3FBB] =	sst s0  }
0x18: {  	s0 =	sld [smem:$0x3F9E];
	_ =	swait.ge [sflag:s4], $0x0  }
0x19: {  	s7 =	sld [smem:$0x3F9F]  }
0x1a: {  	s8 =	sadd.s32 $0xFFFFE003, lr  }
0x1b: {  	s9 =	sadd.s32 $0xFFFFFEF7, lr;
	s5 =	simm.s32 $0xFFFFFFFF;
	p2 =	slt.u32 s8, $0xFFFFF086  }
0x1c: {  	p1 =	slt.u32 s9, $0xF7A;
	s5 =	simm.s32 @!p2 $0x0  }
0x1d: {  	s5 =	simm.s32 @p1 $0x1;
	p0 =	seq.s32 s7, s2  }
0x1e: {  	s7 =	smul.u32 @!p0 $0xF7A, s2;
	p2 =	seq.s32 @!p0 s5, $0x0  }
0x1f: {  	s9 =	smul.u32 $0xF7A, s1;
	s8 =	simm.s32 @!p0 $0x1BF5;
	p2 =	por !p2, p0  }
0x20: {  	[sflag:s8] =	ssyncset.s32 @!p0 $0xFFFFF086;
	s6 =	sadd.s32 @!p0 s3, s7;
	s7 =	simm.s32 @!p0 $0x108  }
0x21: {  	s3 =	sadd.s32 s3, s9;
	s6 =	sadd.s32 @!p0 $0x88, s6;
	s7 =	simm.s32 @p2 $0x1082  }
0x22: {  	[simem:s7], [sflag:s8] =	dma.local @!p0 [hbm:s6], $0xF7A  }
0x23: {  	s9 =	sor.u32 $0xD0000000, s2;
	s6 =	simm.s32 $0x108;
	_ =	swait.ge @!p0 [sflag:s8], $0x0  }
0x24: {  	s3 =	sadd.s32 $0x88, s3;
	s6 =	simm.s32 @!p1 $0x1082;
	[sflag:s4] =	ssyncset.s32 $0xFFFFF086  }
0x25: {  	[simem:s6], [sflag:s4] =	dma.local [hbm:s3], $0xF7A  }
0x26: {  	[smem:$0x3F9F] =	sst s1;
	(tag) =	ssettag s2;
	_ =	strace s9  }
0x27: {  	s1 =	sld [smem:$0x3FAF]  }
0x28: {  	s2 =	sld [smem:$0x3FB0]  }
0x29: {  	s4 =	sld [smem:$0x3FB2]  }
0x2a: {  	p0 =	seq.s32 s5, $0x0;
	s5 =	sld [smem:$0x3FB3]  }
0x2b: {  	s6 =	sld [smem:$0x3FB4]  }
0x2c: {  	s7 =	sld [smem:$0x3FB5]  }
0x2d: {  	s3 =	simm.s32 $0x108;
	s8 =	sld [smem:$0x3FB6]  }
0x2e: {  	s3 =	simm.s32 @!p0 $0x1082;
	s9 =	sld [smem:$0x3FB7]  }
0x2f: {  	lr =	sadd.s32 s0, s3;
	s0 =	sld [smem:$0x3FAE]  }
0x30: {  	s3 =	sld [smem:$0x3FB1]  }
0x31: {  	[smem:$0x3FBA] =	sst s10  }
0x32: {  	s10 =	sld [smem:$0x3FB8];
	_ =	sdelay $0x3  }
0x33: {  	p0 =	seq.s32 s10, $0x1;
	s10 =	sld [smem:$0x3FBA];
	_ =	sdelay $0x3  }
0x34: {  	[smem:$0x3FBA] =	sst s10  }
0x35: {  	s10 =	sld [smem:$0x3FB9];
	_ =	sdelay $0x3  }
0x36: {  	p1 =	seq.s32 s10, $0x1;
	s10 =	sld [smem:$0x3FBA];
	_ =	sdelay $0x3  }
0x37: {  	[smem:$0x3FBA] =	sst s10  }
0x38: {  	s10 =	sld [smem:$0x3FBB]  }
0x39: {  	_ = 	snop;
	(pc) =	sbr.ind lr, $3  }
0x3a: {  	_ = 	snop  }
0x3b: {  	_ = 	snop  }
0x3c: {  	p2 =	seq.s32 s10, $0x1;
	s10 =	sld [smem:$0x3FBA]  }
0x3d: {  	_ =	shalt  }
0x3e: {  	_ =	shalt  }
0x3f: {  	_ =	shalt  }
0x40: {  	_ =	shalt  }
0x41: {  	_ =	shalt  }
0x42: {  	_ =	shalt  }
0x43: {  	_ =	shalt  }
0x44: {  	_ =	shalt  }
0x45: {  	_ =	shalt  }
0x46: {  	_ =	shalt  }
0x47: {  	_ =	shalt  }
0x48: {  	_ =	shalt  }
0x49: {  	_ =	shalt  }
0x4a: {  	_ =	shalt  }
0x4b: {  	_ =	shalt  }
0x4c: {  	_ =	shalt  }
0x4d: {  	_ =	shalt  }
0x4e: {  	_ =	shalt  }
0x4f: {  	_ =	shalt  }
0x50: {  	_ =	shalt  }
0x51: {  	_ =	shalt  }
0x52: {  	_ =	shalt  }
0x53: {  	_ =	shalt  }
0x54: {  	_ =	shalt  }
0x55: {  	_ =	shalt  }
0x56: {  	_ =	shalt  }
0x57: {  	_ =	shalt  }
0x58: {  	_ =	shalt  }
0x59: {  	_ =	shalt  }
0x5a: {  	_ =	shalt  }
0x5b: {  	_ =	shalt  }
0x5c: {  	_ =	shalt  }
0x5d: {  	_ =	shalt  }
0x5e: {  	_ =	shalt  }
0x5f: {  	_ =	shalt  }
0x60: {  	_ =	shalt  }
0x61: {  	_ =	shalt  }
0x62: {  	_ =	shalt  }
0x63: {  	_ =	shalt  }
0x64: {  	_ =	shalt  }
0x65: {  	_ =	shalt  }
0x66: {  	_ =	shalt  }
0x67: {  	_ =	shalt  }
0x68: {  	_ =	shalt  }
0x69: {  	_ =	shalt  }
0x6a: {  	_ =	shalt  }
0x6b: {  	_ =	shalt  }
0x6c: {  	_ =	shalt  }
0x6d: {  	_ =	shalt  }
0x6e: {  	_ =	shalt  }
0x6f: {  	_ =	shalt  }
0x70: {  	_ =	shalt  }
0x71: {  	_ =	shalt  }
0x72: {  	_ =	shalt  }
0x73: {  	_ =	shalt  }
0x74: {  	_ =	shalt  }
0x75: {  	_ =	shalt  }
0x76: {  	_ =	shalt  }
0x77: {  	_ =	shalt  }
0x78: {  	_ =	shalt  }
0x79: {  	_ =	shalt  }
0x7a: {  	_ =	shalt  }
0x7b: {  	_ =	shalt  }
0x7c: {  	_ =	shalt  }
0x7d: {  	_ =	shalt  }
0x7e: {  	_ =	shalt  }
0x7f: {  	_ =	shalt  }
0x80: {  	_ =	shalt  }
0x81: {  	_ =	shalt  }
0x82: {  	_ =	shalt  }
0x83: {  	_ =	shalt  }
0x84: {  	_ =	shalt  }
0x85: {  	_ =	shalt  }
0x86: {  	_ =	shalt  }
0x87: {  	_ =	shalt  }
.Lfunc_end0:
.L_simem_size_0:
called_computation.1_lowered:
.L_overlay_start_0:
0x88: {  	s2 =	sld [smem:$0x3FD9]  }
0x89: {  	s3 =	sld [smem:$0x3FFE];
	_ =	sdelay $0x1  }
0x8a: {  	s1 =	srdreg.scid  }
0x8b: {  	s0 =	sand.u32 $0x1, s1  }
0x8c: {  	s17 =	sshll.u32 s0, $0xA;
	s2 =	sadd.s32 s3, s2  }
0x8d: {  	s2 =	sadd.s32 s2, s17  }
0x8e: {  	[smem:$0x3FC6] =	sst s2  }
0x8f: {  	_ = 	snop  }
0x90: {  	s2 =	sld [smem:$0x3FD0];
	(tm) =	ssettm $0x1  }
0x91: {  	s18 =	sld [smem:$0x3FFB];
	_ =	sdelay $0x3  }
0x92: {  	_ =	strace s18  }
0x93: {  	s3 =	sld [smem:$0x3FFC];
	_ =	sdelay $0x3  }
0x94: {  	_ =	strace s3  }
0x95: {  	s3 =	sld [smem:$0x3FFD];
	_ =	sdelay $0x3  }
0x96: {  	_ =	strace s3  }
0x97: {  	_ =	strace $0x8FFFFFFF  }
0x98: {  	s19 =	sld [smem:$0x3FDB];
	_ =	sdelay $0x1  }
0x99: {  	s4 =	simm.s32 $_scs_section_size  }
0x9a: {  	s5 =	simm.s32 $_size__tile_overlayer_lowered;
	s6 =	simm.s32 $_tile_overlayer_lowered  }
0x9b: {  	s22 =	simm.s32 $0x1BFF;
	s21 =	sshll.u32 s6, $0x1;
	s3 =	sadd.s32 s4, s19  }
0x9c: {  	s7 =	simm.s32 $0x0;
	s20 =	sshll.u32 s5, $0x1;
	s5 =	sadd.s32 s21, s3  }
0x9d: {  	[timem:s7], [sflag:s22] =	dma.local [hbm:s5], s20  }
0x9e: {  	_ =	swait.ge [sflag:s22], s20  }
0x9f: {  	s4 =	ssub.s32 $0x0, s20;
	[sflag:s22] =	ssyncset.done $0x0  }
0xa0: {  	[sflag:s22] =	ssyncadd.s32 s4;
	_ =	sdelay $0x1  }
0xa1: {  	s23 =	simm.s32 $0x1B8B  }
0xa2: {  	_ =	swait.ge [sflag:s23], $0x1  }
0xa3: {  	[sflag:s23] =	ssyncset.done $0x0  }
0xa4: {  	s25 =	simm.s32 $0x1B8E;
	s24 =	sld [smem:$0x3FFE];
	[sflag:s23] =	ssyncadd.s32 $0xFFFFFFFF  }
0xa5: {  	s26 =	simm.s32 $execute0_lowered;
	[smem:$0x3FD2] =	sst s25  }
0xa6: {  	s5 =	sshll.u32 s26, $0x1;
	_ =	strace $0x80000046;
	[dreg:$0x1] =	wrdreg $0xFFFFFFFF  }
0xa7: {  	s28 =	simm.s32 $_size_execute0_lowered;
	s3 =	sadd.s32 s3, s5;
	[dreg:$0x0] =	wrdreg $0x0  }
0xa8: {  	s5 =	sshll.u32 s28, $0x1;
	[dreg:$0x2] =	wrdreg s3  }
0xa9: {  	[dreg:$0x3] =	wrdreg s5  }
0xaa: {  	[dreg:$0x4] =	wrdreg $0xC0  }
0xab: {  	_ =	task [dreg:s7], $0x5FFFF  }
0xac: {  	[dreg:$0x1] =	wrdreg $0xFFFFFFFF  }
0xad: {  	[dreg:$0x0] =	wrdreg $0x60  }
0xae: {  	[dreg:$0x2] =	wrdreg s24  }
0xaf: {  	[dreg:$0x3] =	wrdreg s2  }
0xb0: {  	[dreg:$0x4] =	wrdreg $0x9  }
0xb1: {  	_ =	task.clear_ibuf [dreg:s7], $0x5FFFF;
	_ =	strace $0x90000046  }
0xb2: {  	s29 =	simm.s32 $0x9;
	_ =	strace $0x80000048  }
0xb3: {  	_ =	swait.ge [sflag:s29], $0x1  }
0xb4: {  	[sflag:s29] =	ssyncadd.s32 $0xFFFFFFFF  }
0xb5: {  	_ =	strace $0x90000048  }
0xb6: {  	_ =	sfence  }
0xb7: {  	s30 =	sld [smem:$0x0];
	_ =	sdelay $0x2  }
0xb8: {  	s31 =	sshll.u32 s1, $0xD;
	s1 =	sshrl.u32 s1, $0x2  }
0xb9: {  	s3 =	sand.u32 $0x4000, s31;
	s1 =	sadd.s32 s1, s30  }
0xba: {  	s0 =	sor.u32 s3, s0;
	s1 =	sshll.u32 s1, $0x11  }
0xbb: {  	s0 =	sor.u32 s1, s0  }
0xbc: {  	s0 =	sadd.s32 $0x8F2B, s0  }
0xbd: {  	[sflag:s0] =	ssyncadd.remote.s32 $0x1  }
0xbe: {  	_ =	sfence.sel $0xFFFF  }
0xbf: {  	[dreg:$0x0] =	wrdreg $0xFFFFFFFF;
	(pc) =	sbr.abs _section_cstart, $3  }
0xc0: {  	[dreg:$0x1] =	wrdreg $0xFFFFFFFF  }
0xc1: {  	_ =	task.clear_ibuf [dreg:s7], $0x2FFFF;
	_ =	strace $0x9FFFFFFF  }
0xc2: {  	(tm) =	ssettm $0x7FFFFFFF  }
0xc3: {  	_ =	shalt  }
tec
execute0_lowered:
.L_overlay_start_1:
0x0: {  	(tag) =	ssettag $0x1  }
0x1: {  	s0 =	rddreg [dreg:$0x0]  }
0x2: {  	s1 =	srdreg.scid;
	s11 =	stileid.u32  }
0x3: {  	s13 =	rddreg [dreg:$0x1];
	s2 =	simm.s32 $0x0;
	s15 =	simm.s32 $0x340  }
0x4: {  	s16 =	simm.s32 $0x3400;
	s17 =	simm.s32 $0x9C00;
	s19 =	simm.s32 $0x10400  }
0x5: {  	s20 =	simm.s32 $0x9C0;
	s21 =	simm.s32 $0x16C00;
	s22 =	simm.s32 $0x1  }
0x6: {  	s23 =	simm.s32 $0x2;
	s28 =	simm.s32 $0x6;
	s7 =	smul.u32 $0x6800, s11  }
0x7: {  	s29 =	simm.s32 $0x7;
	s1 =	sand.u32 $0x1, s1;
	s14 =	smul.u32 $0x1A000, s11  }
0x8: {  	s30 =	simm.s32 $0x8;
	s3 =	sshll.u32 s11, $0x1;
	s9 =	smul.u32 $0x3400, s1  }
0x9: {  	s4 =	sor.u32 s1, s3;
	s6 =	ssub.s32 $0x2, s1;
	s1 =	smul.u32 $0xD000, s1  }
0xa: {  	s31 =	simm.s32 $0x0;
	[smem:$0x7FF] =	sst s2;
	s5 =	smul.u32 $0x3400, s4  }
0xb: {  	_ =	strace $0x80000047;
	s3 =	sadd.s32 $0xD800, s0;
	s4 =	smul.u32 $0x68000, s4  }
0xc: {  	s8 =	sshrl.u32 s6, $0x1;
	s26 =	sadd.s32 s14, s13;
	s14 =	simm.s32 $0x9  }
0xd: {  	s10 =	ssub.s32 s6, s8;
	s5 =	sshrl.u32 s5, $0x3;
	s4 =	sshrl.u32 s4, $0x3  }
0xe: {  	s25 =	sadd.s32 s9, s7;
	s0 =	sadd.s32 s5, s0;
	s24 =	sadd.s32 s13, s4  }
0xf: {  	s9 =	smax.u32 s10, $0x1;
	s4 =	sadd.s32 $0x800, s0;
	s5 =	sadd.s32 $0x9C00, s24  }
0x10: {  	s6 =	sadd.s32 $0xA900, s24;
	s7 =	sadd.s32 $0xB600, s24;
	s0 =	sshll.u32 s25, $0x2  }
0x11: {  	s8 =	sadd.s32 $0xC300, s24;
	s24 =	simm.s32 $0x3;
	s25 =	simm.s32 $0x4  }
0x12: {  	s0 =	sadd.s32 s0, s13;
	s13 =	sadd.s32 s1, s26;
	s26 =	simm.s32 $0x5  }
0x13: {  	s10 =	sadd.s32 $0x2700, s0;
	s11 =	sadd.s32 $0x1A00, s0;
	s12 =	sadd.s32 $0xD00, s0  }
.LBB2_1:
0x14: {  	[tilespmem:s2], [sflag:$0x9] =	stream.linear.gather [hbm4b:s4+s2], $0x3400, $0x38;
	[tilespmem:$0x1D400] =	vst v63  }
0x15: {  	_ =	swait.ge [sflag:s14], $0x3400  }
0x16: {  	[sflag:s14] =	ssyncset.done $0x0  }
0x17: {  	s1 =	simm.s32 $0x0;
	s0 =	simm.s32 $0x40;
	[sflag:s14] =	ssyncadd.s32 $0xFFFFCC00  }
.LBB2_2:
0x18: {  	p0 =	sne.s32 s0, $0xCFC0;
	v0 =	vld [tilespmem:s1+$0x0];
	_ =	sdelay $0x4  }
.Ltmp0:
0x19: {  	v1 =	vshll.u32 v0, $0x2;
	(pc) =	sbr.rel @p0 .LBB2_2-.Ltmp0, $4  }
0x1a: {  	v2 =	vand.u32 $0xFFFFF800, v0;
	v0 =	vshrl.u32 v0, $0x9;
	v1 =	vand.u32 $0x7FC, v1  }
0x1b: {  	v0 =	vand.u32 $0x3, v0;
	v1 =	vor.u32 v2, v1  }
0x1c: {  	v0 =	vor.u32 v0, v1  }
0x1d: {  	[tilespmem:s1+$0x0] =	vst v0;
	s1 =	sshra.s32 s0, $0x2;
	s0 =	sadd.s32 $0x40, s0  }
0x1e: {  	v0 =	vld [tilespmem:s1+$0x0];
	_ =	sdelay $0x4  }
0x1f: {  	v1 =	vshll.u32 v0, $0x2  }
0x20: {  	v2 =	vand.u32 $0xFFFFF800, v0;
	v0 =	vshrl.u32 v0, $0x9;
	v1 =	vand.u32 $0x7FC, v1  }
0x21: {  	v0 =	vand.u32 $0x3, v0;
	v1 =	vor.u32 v2, v1  }
0x22: {  	v0 =	vor.u32 v0, v1  }
0x23: {  	s0 =	simm.s32 $0x0;
	[tilespmem:s1+$0x0] =	vst v0  }
0x24: {  	[tilespmem:s16], [sflag:$0x1] =	stream.indirect.gather [hbm4b:s3+s15], $0x20, s0, s15, $0xb8;
	[tilespmem:$0x1D400] =	vst v63  }
0x25: {  	_ = 	snop  }
0x26: {  	[tilespmem:s17], [sflag:$0x2] =	stream.indirect.gather [hbm4b:s3+s15], $0x20, s15, s15, $0xb8;
	[tilespmem:$0x1D400] =	vst v63  }
0x27: {  	s1 =	simm.s32 $0x680  }
0x28: {  	[tilespmem:s19], [sflag:$0x3] =	stream.indirect.gather [hbm4b:s3+s15], $0x20, s1, s15, $0xb8;
	[tilespmem:$0x1D400] =	vst v63  }
0x29: {  	_ = 	snop  }
0x2a: {  	[tilespmem:s21], [sflag:$0x4] =	stream.indirect.gather [hbm4b:s3+s15], $0x20, s20, s15, $0xb8;
	[tilespmem:$0x1D400] =	vst v63  }
0x2b: {  	_ =	swait.ge [sflag:s22], $0x6800  }
0x2c: {  	[sflag:s22] =	ssyncset.done $0x0  }
0x2d: {  	s18 =	sadd.s32 $0x0, s13;
	[sflag:s22] =	ssyncadd.s32 $0xFFFF9800  }
0x2e: {  	[hbm4b:s18+s2] =	stream.linear.scatter [tilespmem:s16], [sflag:$0x5], $0x6800, $0x38;
	[tilespmem:$0x1D400] =	vst v63  }
0x2f: {  	_ =	swait.ge [sflag:s23], $0x6800  }
0x30: {  	[sflag:s23] =	ssyncset.done $0x0  }
0x31: {  	s1 =	sadd.s32 $0x0, s12;
	[sflag:s23] =	ssyncadd.s32 $0xFFFF9800  }
0x32: {  	[hbm4b:s1+s2] =	stream.linear.scatter [tilespmem:s17], [sflag:$0x6], $0x6800, $0x38;
	[tilespmem:$0x1D400] =	vst v63  }
0x33: {  	_ =	swait.ge [sflag:s24], $0x6800  }
0x34: {  	[sflag:s24] =	ssyncset.done $0x0  }
0x35: {  	s18 =	sadd.s32 $0x0, s11;
	[sflag:s24] =	ssyncadd.s32 $0xFFFF9800  }
0x36: {  	[hbm4b:s18+s2] =	stream.linear.scatter [tilespmem:s19], [sflag:$0x7], $0x6800, $0x38;
	[tilespmem:$0x1D400] =	vst v63  }
0x37: {  	_ =	swait.ge [sflag:s25], $0x6800  }
0x38: {  	[sflag:s25] =	ssyncset.done $0x0  }
0x39: {  	s1 =	sadd.s32 $0x0, s10;
	[sflag:s25] =	ssyncadd.s32 $0xFFFF9800  }
0x3a: {  	[hbm4b:s1+s2] =	stream.linear.scatter [tilespmem:s21], [sflag:$0x8], $0x6800, $0x38;
	[tilespmem:$0x1D400] =	vst v63  }
0x3b: {  	_ =	swait.ge [sflag:s26], $0x6800  }
0x3c: {  	[sflag:s26] =	ssyncset.done $0x0  }
0x3d: {  	s18 =	simm.s32 $0xD00;
	[sflag:s26] =	ssyncadd.s32 $0xFFFF9800  }
0x3e: {  	[tilespmem:s16], [sflag:$0x1] =	stream.indirect.gather [hbm4b:s3+s15], $0x20, s18, s15, $0xb8;
	[tilespmem:$0x1D400] =	vst v63  }
0x3f: {  	_ =	swait.ge [sflag:s28], $0x6800  }
0x40: {  	[sflag:s28] =	ssyncset.done $0x0  }
0x41: {  	s1 =	simm.s32 $0x1040;
	[sflag:s28] =	ssyncadd.s32 $0xFFFF9800  }
0x42: {  	[tilespmem:s17], [sflag:$0x2] =	stream.indirect.gather [hbm4b:s3+s15], $0x20, s1, s15, $0xb8;
	[tilespmem:$0x1D400] =	vst v63  }
0x43: {  	_ =	swait.ge [sflag:s29], $0x6800  }
0x44: {  	[sflag:s29] =	ssyncset.done $0x0  }
0x45: {  	s18 =	simm.s32 $0x1380;
	[sflag:s29] =	ssyncadd.s32 $0xFFFF9800  }
0x46: {  	[tilespmem:s19], [sflag:$0x3] =	stream.indirect.gather [hbm4b:s3+s15], $0x20, s18, s15, $0xb8;
	[tilespmem:$0x1D400] =	vst v63  }
0x47: {  	_ =	swait.ge [sflag:s30], $0x6800  }
0x48: {  	[sflag:s30] =	ssyncset.done $0x0  }
0x49: {  	s0 =	simm.s32 $0x16C0;
	s1 =	simm.s32 $0x3400;
	[sflag:s30] =	ssyncadd.s32 $0xFFFF9800  }
.LBB2_4:
0x4a: {  	[tilespmem:s21], [sflag:$0x4] =	stream.indirect.gather [hbm4b:s3+s15], $0x20, s0, s15, $0xb8;
	[tilespmem:$0x1D400] =	vst v63  }
0x4b: {  	s0 =	smov.u32 s1  }
0x4c: {  	p0 =	sne.s32 s1, $0x6800;
	s1 =	sadd.s32 $0x3400, s1;
	_ =	swait.ge [sflag:s22], $0x6800  }
0x4d: {  	[sflag:s22] =	ssyncset.done $0x0  }
0x4e: {  	s18 =	sadd.s32 s0, s13;
	[sflag:s22] =	ssyncadd.s32 $0xFFFF9800  }
0x4f: {  	[hbm4b:s18+s2] =	stream.linear.scatter [tilespmem:s16], [sflag:$0x5], $0x6800, $0x38;
	[tilespmem:$0x1D400] =	vst v63  }
0x50: {  	_ =	swait.ge [sflag:s23], $0x6800  }
0x51: {  	[sflag:s23] =	ssyncset.done $0x0  }
0x52: {  	s18 =	sadd.s32 s0, s12;
	[sflag:s23] =	ssyncadd.s32 $0xFFFF9800  }
0x53: {  	[hbm4b:s18+s2] =	stream.linear.scatter [tilespmem:s17], [sflag:$0x6], $0x6800, $0x38;
	[tilespmem:$0x1D400] =	vst v63  }
0x54: {  	_ =	swait.ge [sflag:s24], $0x6800  }
0x55: {  	[sflag:s24] =	ssyncset.done $0x0  }
0x56: {  	s18 =	sadd.s32 s0, s11;
	[sflag:s24] =	ssyncadd.s32 $0xFFFF9800  }
0x57: {  	[hbm4b:s18+s2] =	stream.linear.scatter [tilespmem:s19], [sflag:$0x7], $0x6800, $0x38;
	[tilespmem:$0x1D400] =	vst v63  }
0x58: {  	_ =	swait.ge [sflag:s25], $0x6800  }
0x59: {  	[sflag:s25] =	ssyncset.done $0x0  }
0x5a: {  	s18 =	sadd.s32 s0, s10;
	[sflag:s25] =	ssyncadd.s32 $0xFFFF9800  }
0x5b: {  	[hbm4b:s18+s2] =	stream.linear.scatter [tilespmem:s21], [sflag:$0x8], $0x6800, $0x38;
	[tilespmem:$0x1D400] =	vst v63  }
0x5c: {  	_ =	swait.ge [sflag:s26], $0x6800  }
0x5d: {  	s0 =	sshra.s32 s0, $0x2;
	[sflag:s26] =	ssyncset.done $0x0  }
0x5e: {  	s18 =	sadd.s32 $0xD00, s0;
	[sflag:s26] =	ssyncadd.s32 $0xFFFF9800  }
0x5f: {  	[tilespmem:s16], [sflag:$0x1] =	stream.indirect.gather [hbm4b:s3+s15], $0x20, s18, s15, $0xb8;
	[tilespmem:$0x1D400] =	vst v63  }
0x60: {  	_ =	swait.ge [sflag:s28], $0x6800  }
0x61: {  	[sflag:s28] =	ssyncset.done $0x0  }
0x62: {  	s18 =	sadd.s32 $0x1040, s0;
	[sflag:s28] =	ssyncadd.s32 $0xFFFF9800  }
0x63: {  	[tilespmem:s17], [sflag:$0x2] =	stream.indirect.gather [hbm4b:s3+s15], $0x20, s18, s15, $0xb8;
	[tilespmem:$0x1D400] =	vst v63  }
0x64: {  	_ =	swait.ge [sflag:s29], $0x6800  }
0x65: {  	[sflag:s29] =	ssyncset.done $0x0  }
.Ltmp1:
0x66: {  	s18 =	sadd.s32 $0x1380, s0;
	[sflag:s29] =	ssyncadd.s32 $0xFFFF9800;
	(pc) =	sbr.rel @p0 .LBB2_4-.Ltmp1, $4  }
0x67: {  	[tilespmem:s19], [sflag:$0x3] =	stream.indirect.gather [hbm4b:s3+s15], $0x20, s18, s15, $0xb8;
	[tilespmem:$0x1D400] =	vst v63  }
0x68: {  	_ =	swait.ge [sflag:s30], $0x6800  }
0x69: {  	[sflag:s30] =	ssyncset.done $0x0  }
0x6a: {  	s0 =	sadd.s32 $0x16C0, s0;
	[sflag:s30] =	ssyncadd.s32 $0xFFFF9800  }
0x6b: {  	[tilespmem:s21], [sflag:$0x4] =	stream.indirect.gather [hbm4b:s3+s15], $0x20, s0, s15, $0xb8;
	[tilespmem:$0x1D400] =	vst v63  }
0x6c: {  	_ =	swait.ge [sflag:s22], $0x6800  }
0x6d: {  	[sflag:s22] =	ssyncset.done $0x0  }
0x6e: {  	[sflag:s22] =	ssyncadd.s32 $0xFFFF9800  }
0x6f: {  	[hbm4b:s5+s2] =	stream.linear.scatter [tilespmem:s16], [sflag:$0x5], $0x6800, $0x38;
	[tilespmem:$0x1D400] =	vst v63  }
0x70: {  	_ =	swait.ge [sflag:s23], $0x6800  }
0x71: {  	[sflag:s23] =	ssyncset.done $0x0  }
0x72: {  	[sflag:s23] =	ssyncadd.s32 $0xFFFF9800  }
0x73: {  	[hbm4b:s6+s2] =	stream.linear.scatter [tilespmem:s17], [sflag:$0x6], $0x6800, $0x38;
	[tilespmem:$0x1D400] =	vst v63  }
0x74: {  	_ =	swait.ge [sflag:s24], $0x6800  }
0x75: {  	[sflag:s24] =	ssyncset.done $0x0  }
0x76: {  	[sflag:s24] =	ssyncadd.s32 $0xFFFF9800  }
0x77: {  	[hbm4b:s7+s2] =	stream.linear.scatter [tilespmem:s19], [sflag:$0x7], $0x6800, $0x38;
	[tilespmem:$0x1D400] =	vst v63  }
0x78: {  	_ =	swait.ge [sflag:s25], $0x6800  }
0x79: {  	[sflag:s25] =	ssyncset.done $0x0  }
0x7a: {  	[sflag:s25] =	ssyncadd.s32 $0xFFFF9800  }
0x7b: {  	[hbm4b:s8+s2] =	stream.linear.scatter [tilespmem:s21], [sflag:$0x8], $0x6800, $0x38;
	[tilespmem:$0x1D400] =	vst v63  }
0x7c: {  	_ =	swait.ge [sflag:s26], $0x6800  }
0x7d: {  	[sflag:s26] =	ssyncset.done $0x0  }
0x7e: {  	[sflag:s26] =	ssyncadd.s32 $0xFFFF9800  }
0x7f: {  	_ =	swait.ge [sflag:s28], $0x6800  }
0x80: {  	[sflag:s28] =	ssyncset.done $0x0  }
0x81: {  	s31 =	sadd.s32 $0x1, s31;
	[sflag:s28] =	ssyncadd.s32 $0xFFFF9800  }
0x82: {  	p0 =	sne.s32 s31, s9;
	_ =	swait.ge [sflag:s29], $0x6800  }
.Ltmp2:
0x83: {  	[sflag:s29] =	ssyncset.done $0x0;
	(pc) =	sbr.rel @p0 .LBB2_1-.Ltmp2, $4  }
0x84: {  	[sflag:s29] =	ssyncadd.s32 $0xFFFF9800  }
0x85: {  	_ =	swait.ge [sflag:s30], $0x6800  }
0x86: {  	[sflag:s30] =	ssyncset.done $0x0  }
0x87: {  	[sflag:s30] =	ssyncadd.s32 $0xFFFF9800  }
0x88: {  	_ =	sfence.sel $0x180000  }
0x89: {  	[bflag:$0x0] =	sbarrier.arrive $0xFFFF  }
0x8a: {  	_ =	strace $0x90000047  }
0x8b: {  	s0 =	stileid.u32;
	[bflag:$0x2] =	sbarrier.arrive $0xFFFF  }
0x8c: {  	p0 =	sne.s32 s0, $0x0;
	s0 =	rddreg [dreg:$0x2]  }
0x8d: {  	s0 =	sadd.s32 @!p0 $0x100000, s0  }
0x8e: {  	[sflag:s0] =	ssyncadd.tile.s32 @!p0 $0x1;
	_ =	shalt  }
.Lfunc_end2:
_tile_overlayer_lowered:
.L_overlay_start_2:
0x8f: {  	(tag) =	ssettag $0x2  }
0x90: {  	s0 =	rddreg [dreg:$0x0];
	s2 =	stileid.u32  }
0x91: {  	s1 =	rddreg [dreg:$0x1];
	p0 =	sne.s32 s2, $0x0  }
0x92: {  	s3 =	rddreg [dreg:$0x2];
	[bflag:$0x3] =	sbarrier.arrive $0xFFFF;
	s2 =	simm.s32 @!p0 $0x1C09  }
0x93: {  	[timem:s3], [sflag:s2] =	dma.local @!p0 [hbm:s0], s1  }
0x94: {  	s0 =	simm.s32 @!p0 $0x9  }
0x95: {  	_ =	swait.ge @!p0 [sflag:s0], s1  }
0x96: {  	s1 =	ssub.s32 @!p0 $0x0, s1;
	[sflag:s0] =	ssyncset.done @!p0 $0x0  }
0x97: {  	[sflag:s0] =	ssyncadd.s32 @!p0 s1  }
0x98: {  	[bflag:$0x3] =	sbarrier.arrive $0xFFFF  }
0x99: {  	_ =	shalt  }

// kernel: sparse-core-data-format-call.cloned.1.call-start
scs
called_computation_lowered:
.L_overlay_start_0:
0x0: {  	s2 =	sld [smem:$0x3FD9]  }
0x1: {  	s3 =	sld [smem:$0x3FFE];
	_ =	sdelay $0x1  }
0x2: {  	s1 =	srdreg.scid  }
0x3: {  	s0 =	sand.u32 $0x1, s1  }
0x4: {  	s18 =	sshll.u32 s0, $0xA;
	s2 =	sadd.s32 s3, s2  }
0x5: {  	s2 =	sadd.s32 s2, s18  }
0x6: {  	[smem:$0x3FC6] =	sst s2  }
0x7: {  	_ = 	snop  }
0x8: {  	s2 =	sld [smem:$0x3FD0];
	(tm) =	ssettm $0x1  }
0x9: {  	s19 =	sld [smem:$0x3FFB];
	_ =	sdelay $0x3  }
0xa: {  	_ =	strace s19  }
0xb: {  	s3 =	sld [smem:$0x3FFC];
	_ =	sdelay $0x3  }
0xc: {  	_ =	strace s3  }
0xd: {  	s3 =	sld [smem:$0x3FFD];
	_ =	sdelay $0x3  }
0xe: {  	_ =	strace s3  }
0xf: {  	_ =	strace $0x8FFFFFFF  }
0x10: {  	s20 =	sld [smem:$0x3FDB];
	_ =	sdelay $0x1  }
0x11: {  	s4 =	simm.s32 $_scs_section_size  }
0x12: {  	s5 =	simm.s32 $_size__tile_overlayer_lowered;
	s6 =	simm.s32 $_tile_overlayer_lowered  }
0x13: {  	s23 =	simm.s32 $0x1BFF;
	s22 =	sshll.u32 s6, $0x1;
	s3 =	sadd.s32 s4, s20  }
0x14: {  	s7 =	simm.s32 $0x0;
	s21 =	sshll.u32 s5, $0x1;
	s5 =	sadd.s32 s22, s3  }
0x15: {  	[timem:s7], [sflag:s23] =	dma.local [hbm:s5], s21  }
0x16: {  	_ =	swait.ge [sflag:s23], s21  }
0x17: {  	s4 =	ssub.s32 $0x0, s21;
	[sflag:s23] =	ssyncset.done $0x0  }
0x18: {  	[sflag:s23] =	ssyncadd.s32 s4;
	_ =	sdelay $0x1  }
0x19: {  	s24 =	simm.s32 $0x1B8B  }
0x1a: {  	_ =	swait.ge [sflag:s24], $0x1  }
0x1b: {  	[sflag:s24] =	ssyncset.done $0x0  }
0x1c: {  	s26 =	simm.s32 $0x1B8E;
	s25 =	sld [smem:$0x3FFE];
	[sflag:s24] =	ssyncadd.s32 $0xFFFFFFFF  }
0x1d: {  	s27 =	simm.s32 $execute0_lowered;
	[smem:$0x3FD2] =	sst s26  }
0x1e: {  	s5 =	sshll.u32 s27, $0x1;
	_ =	strace $0x80000049;
	[dreg:$0x1] =	wrdreg $0xFFFFFFFF  }
0x1f: {  	s28 =	simm.s32 $_size_execute0_lowered;
	s3 =	sadd.s32 s3, s5;
	[dreg:$0x0] =	wrdreg $0x0  }
0x20: {  	s5 =	sshll.u32 s28, $0x1;
	[dreg:$0x2] =	wrdreg s3  }
0x21: {  	[dreg:$0x3] =	wrdreg s5  }
0x22: {  	[dreg:$0x4] =	wrdreg $0xC0  }
0x23: {  	_ =	task [dreg:s7], $0x5FFFF  }
0x24: {  	[dreg:$0x1] =	wrdreg $0xFFFFFFFF  }
0x25: {  	[dreg:$0x0] =	wrdreg $0x60  }
0x26: {  	[dreg:$0x2] =	wrdreg s25  }
0x27: {  	[dreg:$0x3] =	wrdreg s2  }
0x28: {  	[dreg:$0x4] =	wrdreg $0x9  }
0x29: {  	_ =	task.clear_ibuf [dreg:s7], $0x5FFFF;
	_ =	strace $0x90000049  }
0x2a: {  	s29 =	simm.s32 $0x9;
	_ =	strace $0x8000004B  }
0x2b: {  	_ =	swait.ge [sflag:s29], $0x1  }
0x2c: {  	[sflag:s29] =	ssyncadd.s32 $0xFFFFFFFF  }
0x2d: {  	_ =	strace $0x9000004B  }
0x2e: {  	_ =	sfence  }
0x2f: {  	s30 =	sld [smem:$0x0];
	_ =	sdelay $0x2  }
0x30: {  	s31 =	sshll.u32 s1, $0xD;
	s1 =	sshrl.u32 s1, $0x2  }
0x31: {  	s3 =	sand.u32 $0x4000, s31;
	s1 =	sadd.s32 s1, s30  }
0x32: {  	s0 =	sor.u32 s3, s0;
	s1 =	sshll.u32 s1, $0x11  }
0x33: {  	s0 =	sor.u32 s1, s0  }
0x34: {  	s0 =	sadd.s32 $0x8F2B, s0  }
0x35: {  	[sflag:s0] =	ssyncadd.remote.s32 $0x1  }
0x36: {  	_ =	sfence.sel $0xFFFF  }
0x37: {  	[dreg:$0x0] =	wrdreg $0xFFFFFFFF;
	(pc) =	sbr.abs _section_cstart, $3  }
0x38: {  	[dreg:$0x1] =	wrdreg $0xFFFFFFFF  }
0x39: {  	_ =	task.clear_ibuf [dreg:s7], $0x2FFFF;
	_ =	strace $0x9FFFFFFF  }
0x3a: {  	(tm) =	ssettm $0x7FFFFFFF  }
0x3b: {  	_ =	shalt  }
tec
execute0_lowered:
.L_overlay_start_1:
0x0: {  	(tag) =	ssettag $0x1  }
0x1: {  	s0 =	srdreg.scid  }
0x2: {  	s1 =	sshll.u32 s0, $0x4  }
0x3: {  	s0 =	stileid.u32;
	s1 =	sand.u32 $0x10, s1  }
0x4: {  	s1 =	sor.u32 s0, s1  }
0x5: {  	s6 =	rddreg [dreg:$0x0];
	s4 =	simm.s32 $0x1;
	s2 =	sshll.u32 s1, $0x7  }
0x6: {  	s7 =	simm.s32 $0x2;
	s12 =	simm.s32 $0x0;
	s1 =	ssub.s32 $0x4000, s2  }
0x7: {  	s8 =	simm.s32 $0x20000;
	s13 =	simm.s32 $0x0;
	s3 =	sand.u32 $0xF80, s1  }
0x8: {  	s9 =	simm.s32 $0x0;
	s5 =	sshrl.u32 s1, $0xC;
	p0 =	sne.s32 s3, $0x0  }
.Ltmp0:
0x9: {  	s1 =	rddreg [dreg:$0x2];
	s4 =	simm.s32 @!p0 $0x0;
	(pc) =	sbr.rel .LBB1_1-.Ltmp0, $4  }
0xa: {  	s11 =	simm.s32 $0x0;
	s3 =	rddreg [dreg:$0x1];
	s5 =	sadd.s32 s4, s5  }
0xb: {  	_ =	strace $0x8000004A;
	s4 =	simm.s32 $0x1;
	s5 =	smul.u32 $0x1A, s5  }
0xc: {  	s6 =	sadd.s32 $0x800, s6;
	s10 =	smov.u32 s2;
	[sflag:s4] =	ssyncpa.u1 $0x0  }
0xd: {  	p0 =	por $0x0, $0x0;
	[sflag:s7] =	ssyncpa.u1 $0x0;
	s7 =	sor.u32 $0x1, s5  }
.LBB1_4:
0xe: {  	s16 =	sshll.u32 s13, $0x3;
	s17 =	sand.u32 $0x78, s13  }
0xf: {  	s30 =	sand.u32 $0xF800, s13;
	s12 =	sshll.u32 s12, $0x10;
	s16 =	sand.u32 $0x3C00, s16  }
0x10: {  	s31 =	sand.u32 $0x7, s13;
	s16 =	sor.u32 s17, s16;
	s17 =	sadd.s32 s3, s30  }
0x11: {  	s13 =	sshll.u32 s31, $0x12;
	s16 =	sshrl.u32 s16, $0x3;
	s12 =	sadd.s32 s12, s17  }
0x12: {  	[tilespmem:s15+$0x0 ss:$0x81] =	vst.msk $0xffff, v0;
	s13 =	sor.u32 $0x400, s13;
	s12 =	sadd.s32 s16, s12  }
0x13: {  	[hbm4b:s12+s13] =	stream.strided.scatter [tilespmem:s14], [sflag:$0x2], $0x1000, s8, s13, $0x20;
	[tilespmem:$0x4040] =	vst v63  }
.LBB1_5:
0x14: {  	s14 =	sadd.s32 $0x1, s9  }
0x15: {  	s12 =	sadd.s32 $0x1000, s10;
	s16 =	smov.u32 s10;
	p2 =	sgt.s32 s14, $0x19  }
0x16: {  	s16 =	smov.u32 @p2 s12  }
0x17: {  	s14 =	simm.s32 @p2 $0x0;
	p2 =	sgt.s32 s16, $0x3FFF  }
0x18: {  	s16 =	smov.u32 @p2 s2;
	p2 =	sne.s32 s11, s7  }
.Ltmp1:
0x19: {  	p1 =	slt.u32 s11, $0x2;
	(pc) =	sbr.rel @!p2 .LBB1_6-.Ltmp1, $4  }
0x1a: {  	s15 =	simm.s32 @!p1 $0x2  }
0x1b: {  	s13 =	smov.u32 s10;
	p0 =	por !p0, !p0;
	_ =	swait.ge @!p1 [sflag:s15], $0x1000  }
0x1c: {  	s12 =	smov.u32 s9;
	[sflag:s15] =	ssyncset.done @!p1 $0x0;
	s9 =	smov.u32 s14  }
0x1d: {  	s11 =	sadd.s32 $0x1, s11;
	[sflag:s15] =	ssyncadd.s32 @!p1 $0xFFFFF000;
	s10 =	smov.u32 s16  }
.LBB1_1:
0x1e: {  	p1 =	sge.u32 s11, s5  }
0x1f: {  	s31 =	sadd.s32 $0xFFFFFFFF, s11;
	s14 =	sxor.u32 @!p1 $0xFFFFFFFF, s11  }
0x20: {  	s15 =	sshll.u32 @!p1 s10, $0x9;
	s16 =	sshll.u32 @!p1 s9, $0x4;
	s17 =	simm.s32 @!p1 $0x1000  }
0x21: {  	s14 =	sshll.u32 @!p1 s14, $0xC;
	s16 =	sand.u32 @!p1 $0x1F0, s16;
	s15 =	sadd.s32 @!p1 s6, s15  }
0x22: {  	s14 =	sand.u32 @!p1 $0x1000, s14;
	s15 =	sadd.s32 @!p1 s16, s15;
	s16 =	simm.s32 @!p1 $0x20  }
0x23: {  	[tilespmem:s14], [sflag:$0x1] =	stream.strided.gather @!p1 [hbm4b:s15+s16], $0x1000, s17, s16, $0x38;
	[tilespmem:$0x4040] =	vst v63  }
0x24: {  	p1 =	sge.u32 s31, s5  }
.Ltmp2:
0x25: {  	_ = 	snop;
	(pc) =	sbr.rel @p1 .LBB1_5-.Ltmp2, $1  }
0x26: {  	_ =	sdelay $0x3  }
0x27: {  	s14 =	simm.s32 $0x1  }
0x28: {  	_ =	swait.ge [sflag:s4], $0x1000;
	s14 =	simm.s32 @!p0 $0x0  }
0x29: {  	[sflag:s4] =	ssyncset.done $0x0;
	s15 =	sshll.u32 s14, $0xC  }
0x2a: {  	[sflag:s4] =	ssyncadd.s32 $0xFFFFF000;
	s18 =	sor.u32 $0x10, s15  }
0x2b: {  	s14 =	smul.u32 $0x4080, s14;
	v1 =	vld [tilespmem:s18+$0x0]  }
0x2c: {  	s30 =	sand.u32 $0x1, s11;
	v0 =	vld [tilespmem:s18+$0xFFFFFFF0]  }
0x2d: {  	s15 =	smul.u32 $0x4080, s30;
	s14 =	sshrl.u32 s14, $0x2  }
0x2e: {  	s16 =	sor.u32 $0x2000, s14  }
0x2f: {  	s31 =	sshrl.u32 s15, $0x2;
	s15 =	sadd.s32 $0x0, s16  }
0x30: {  	s17 =	simm.s32 $0x4;
	s18 =	sadd.s32 $0x20, s18;
	s14 =	sor.u32 $0x2000, s31;
	[tilespmem:s15+$0x810 ss:$0x81] =	vst.msk $0xffff, v1  }
.LBB1_3:
0x31: {  	v1 =	vld [tilespmem:s18+$0x0];
	p1 =	sne.s32 s17, $0x1FC;
	[tilespmem:s15+$0x0 ss:$0x81] =	vst.msk $0xffff, v0;
	s15 =	smov.u32 s17;
	s17 =	sadd.s32 $0x4, s17  }
.Ltmp3:
0x32: {  	v0 =	vld [tilespmem:s18+$0xFFFFFFF0];
	(pc) =	sbr.rel @p1 .LBB1_3-.Ltmp3, $4  }
0x33: {  	_ = 	snop  }
0x34: {  	s15 =	sshra.s32 s15, $0x2  }
0x35: {  	s15 =	sadd.s32 s15, s16  }
0x36: {  	s18 =	sadd.s32 $0x20, s18;
	[tilespmem:s15+$0x810 ss:$0x81] =	vst.msk $0xffff, v1  }
.Ltmp4:
0x37: {  	_ = 	snop;
	(pc) =	sbr.rel .LBB1_4-.Ltmp4, $1  }
0x38: {  	_ =	sdelay $0x3  }
.LBB1_6:
0x39: {  	_ =	sfence.sel $0x180000  }
0x3a: {  	s2 =	simm.s32 $0x1;
	[bflag:$0x0] =	sbarrier.arrive $0xFFFF  }
0x3b: {  	s31 =	simm.s32 $0x2;
	[sflag:s2] =	ssyncpa.u1 $0x1  }
0x3c: {  	[sflag:s31] =	ssyncpa.u1 $0x1  }
0x3d: {  	p0 =	sne.s32 s0, $0x0;
	_ =	strace $0x9000004A  }
0x3e: {  	s0 =	sadd.s32 @!p0 $0x100000, s1;
	[bflag:$0x2] =	sbarrier.arrive $0xFFFF  }
0x3f: {  	[sflag:s0] =	ssyncadd.tile.s32 @!p0 $0x1;
	_ =	shalt  }
.Lfunc_end1:
_tile_overlayer_lowered:
.L_overlay_start_2:
0x40: {  	(tag) =	ssettag $0x2  }
0x41: {  	s0 =	rddreg [dreg:$0x0];
	s2 =	stileid.u32  }
0x42: {  	s1 =	rddreg [dreg:$0x1];
	p0 =	sne.s32 s2, $0x0  }
0x43: {  	s3 =	rddreg [dreg:$0x2];
	[bflag:$0x3] =	sbarrier.arrive $0xFFFF;
	s2 =	simm.s32 @!p0 $0x1C01  }
0x44: {  	[timem:s3], [sflag:s2] =	dma.local @!p0 [hbm:s0], s1  }
0x45: {  	s0 =	simm.s32 @!p0 $0x1  }
0x46: {  	_ =	swait.ge @!p0 [sflag:s0], s1  }
0x47: {  	s1 =	ssub.s32 @!p0 $0x0, s1;
	[sflag:s0] =	ssyncset.done @!p0 $0x0  }
0x48: {  	[sflag:s0] =	ssyncadd.s32 @!p0 s1  }
0x49: {  	[bflag:$0x3] =	sbarrier.arrive $0xFFFF  }
0x4a: {  	_ =	shalt  }

</sc_bundles>
